<compile_context>
chip_gen: v7x
topology: tpu7x:2x2x1
jax: 0.10.2.dev20260603
libtpu: 0.0.44.dev20260713+nightly
codegen_flags: <defaults>
</compile_context>

<pallas_src>
import jax
import jax.numpy as jnp
from jax import lax
from jax.experimental import pallas as pl
from jax.experimental.pallas import tpu as pltpu
from jax.experimental.pallas import tpu_sc as plsc

B = 4096
L = 200
D = 128
V = 44
VP = 48
NT = B * L
LBLK = 40

NWORK = 32
PER_TILE = NT // NWORK
C = 80
NB = 5
NC = PER_TILE // C


def _fused_table_body(table_ref, out_ref):
    i = pl.program_id(0)
    d = lax.broadcasted_iota(jnp.int32, (LBLK, 1, D), 2)
    pos = (lax.broadcasted_iota(jnp.int32, (LBLK, 1, D), 0) + i * LBLK)
    posf = pos.astype(jnp.float32)
    half = (d // 2).astype(jnp.float32)
    denom = jnp.exp(half * (2.0 / D) * jnp.log(10000.0))
    ang = posf / denom
    pe = jnp.where(d % 2 == 0, jnp.sin(ang), jnp.cos(ang))
    tab = table_ref[...]
    tab = jnp.concatenate([tab, jnp.zeros((VP - V, D), jnp.float32)], axis=0)
    out_ref[...] = tab[None, :, :] + pe


def _flat_idx_body(x_ref, out_ref):
    l = lax.broadcasted_iota(jnp.int32, x_ref.shape, 1)
    out_ref[...] = x_ref[...] + VP * l


def _build_fused(table):
    return pl.pallas_call(
        _fused_table_body,
        grid=(L // LBLK,),
        in_specs=[pl.BlockSpec((V, D), lambda i: (0, 0))],
        out_specs=pl.BlockSpec((LBLK, VP, D), lambda i: (i, 0, 0)),
        out_shape=jax.ShapeDtypeStruct((L, VP, D), jnp.float32),
    )(table)


def _build_flat_idx(x):
    return pl.pallas_call(
        _flat_idx_body,
        grid=(8,),
        in_specs=[pl.BlockSpec((B // 8, L), lambda i: (i, 0))],
        out_specs=pl.BlockSpec((B // 8, L), lambda i: (i, 0)),
        out_shape=jax.ShapeDtypeStruct((B, L), jnp.int32),
    )(x)


def _sc_gather(fused, idx):
    mesh = plsc.VectorSubcoreMesh(
        core_axis_name="core", subcore_axis_name="subcore")

    @pl.kernel(
        out_type=jax.ShapeDtypeStruct((NT, D), jnp.float32),
        mesh=mesh,
        scratch_types=(
            [pltpu.VMEM_SHARED((L * VP, D), jnp.float32)]
            + [pltpu.VMEM((C,), jnp.int32) for _ in range(NB)]
            + [pltpu.VMEM((C, D), jnp.float32) for _ in range(NB)]
            + [pltpu.SemaphoreType.DMA for _ in range(2 * NB)]
        ),
    )
    def gather_kernel(fused_hbm, idx_hbm, out_hbm, fused_sp, *bufsem):
        ibufs = bufsem[:NB]
        bufs = bufsem[NB:2 * NB]
        gsems = bufsem[2 * NB:3 * NB]
        wsems = bufsem[3 * NB:]
        wid = lax.axis_index("subcore") * 2 + lax.axis_index("core")
        base = wid * PER_TILE

        @pl.when(lax.axis_index("subcore") == 0)
        def _():
            pltpu.sync_copy(fused_hbm, fused_sp)
        plsc.subcore_barrier()

        def istage(cc, b):
            pltpu.sync_copy(idx_hbm.at[pl.ds(base + cc * C, C)], ibufs[b])

        def gcopy(cc, b):
            return pltpu.make_async_copy(
                fused_sp.at[ibufs[b]], bufs[b], gsems[b])

        def wcopy(cc, b):
            return pltpu.make_async_copy(
                bufs[b], out_hbm.at[pl.ds(base + cc * C, C)], wsems[b])

        for b in range(NB):
            istage(b, b)
            gcopy(b, b).start()

        @pl.loop(0, NC, step=NB)
        def _(c):
            for b in range(NB):
                cc = c + b
                gcopy(cc, b).wait()
                wcopy(cc, b).start()

                @pl.when(cc + NB < NC)
                def _():
                    istage(cc + NB, b)
            for b in range(NB):
                cc = c + b
                wcopy(cc, b).wait()

                @pl.when(cc + NB < NC)
                def _():
                    gcopy(cc + NB, b).start()

    return gather_kernel(fused, idx.reshape(NT))


def kernel(x, start_token, end_token, table):
    fused = _build_fused(table).reshape(L * VP, D)
    idx = _build_flat_idx(x)
    out = _sc_gather(fused, idx)
    return out.reshape(B, L, D)

# --- scband reference (transcript-rebuilt; emitter-appended) ---
"""Pipeline reference for scband-sentence-embedding-89000312308152 (READ-ONLY COPY).

The authoritative reference and input builder live on the scoring server;
editing this copy changes nothing except your own understanding.
"""

import jax, jax.numpy as jnp
import numpy as np

BATCH = 4096
MAX_LEN = 200
D_MODEL = 128
VOCAB = 44  # 41 chars in language_to_index + START/END/PAD specials


def positional_encoding():
    even_i = jnp.arange(0, D_MODEL, 2).astype(jnp.float32)
    denominator = jnp.power(10000.0, even_i / D_MODEL)
    position = jnp.arange(MAX_LEN, dtype=jnp.float32).reshape(MAX_LEN, 1)
    even_PE = jnp.sin(position / denominator)
    odd_PE = jnp.cos(position / denominator)
    stacked = jnp.stack([even_PE, odd_PE], axis=2)
    PE = stacked.reshape(MAX_LEN, D_MODEL)
    return PE


def setup_inputs(seed: int = 0) -> dict:
    key = jax.random.key(seed)
    k1, k2 = jax.random.split(key)
    # Pre-tokenized sentences: int token ids in [0, VOCAB), already padded to MAX_LEN
    x = jax.random.randint(k1, (BATCH, MAX_LEN), 0, VOCAB, dtype=jnp.int32)
    # Learned embedding table (nn.Embedding(vocab_size, d_model))
    table = jax.random.normal(k2, (VOCAB, D_MODEL), dtype=jnp.float32)
    return {"x": x, "start_token": 1, "end_token": 1, "table": table}


def reference(x, start_token, end_token, table):
    # batch_tokenize is string preprocessing on host; x is the resulting
    # clamped index tensor (values already < vocab_size).
    emb = jnp.take(table, x, axis=0)  # embedding gather [B, L, D]
    pe = positional_encoding()        # [L, D]
    out = emb + pe[None, :, :]
    # nn.Dropout(p=0.1) is identity at inference time
    return out

if __name__ == "__main__":
    import jax
    _d = setup_inputs()
    print(jax.jit(kernel)(*tuple(_d.values())))

</pallas_src>

<mosaic_0001>
#map = affine_map<(d0, d1) -> (0, 0)>
#map1 = affine_map<(d0, d1) -> (0)>
module attributes {stable_mosaic.version = 14 : i64} {
  func.func @gather_kernel(%arg0: i32, %arg1: i32, %arg2: memref<9600x128xf32, #tpu.memory_space<hbm>>, %arg3: memref<819200xi32, #tpu.memory_space<hbm>>, %arg4: memref<819200x128xf32, #tpu.memory_space<hbm>>, %arg5: memref<9600x128xf32, #tpu.memory_space<vmem_shared>>, %arg6: memref<80xi32, #tpu.memory_space<vmem>>, %arg7: memref<80xi32, #tpu.memory_space<vmem>>, %arg8: memref<80xi32, #tpu.memory_space<vmem>>, %arg9: memref<80xi32, #tpu.memory_space<vmem>>, %arg10: memref<80xi32, #tpu.memory_space<vmem>>, %arg11: memref<80x128xf32, #tpu.memory_space<vmem>>, %arg12: memref<80x128xf32, #tpu.memory_space<vmem>>, %arg13: memref<80x128xf32, #tpu.memory_space<vmem>>, %arg14: memref<80x128xf32, #tpu.memory_space<vmem>>, %arg15: memref<80x128xf32, #tpu.memory_space<vmem>>, %arg16: memref<!tpu.dma_semaphore, #tpu.memory_space<semaphore_mem>>, %arg17: memref<!tpu.dma_semaphore, #tpu.memory_space<semaphore_mem>>, %arg18: memref<!tpu.dma_semaphore, #tpu.memory_space<semaphore_mem>>, %arg19: memref<!tpu.dma_semaphore, #tpu.memory_space<semaphore_mem>>, %arg20: memref<!tpu.dma_semaphore, #tpu.memory_space<semaphore_mem>>, %arg21: memref<!tpu.dma_semaphore, #tpu.memory_space<semaphore_mem>>, %arg22: memref<!tpu.dma_semaphore, #tpu.memory_space<semaphore_mem>>, %arg23: memref<!tpu.dma_semaphore, #tpu.memory_space<semaphore_mem>>, %arg24: memref<!tpu.dma_semaphore, #tpu.memory_space<semaphore_mem>>, %arg25: memref<!tpu.dma_semaphore, #tpu.memory_space<semaphore_mem>>) attributes {dimension_semantics = [#tpu.dimension_semantics<core_parallel>, #tpu.dimension_semantics<subcore_parallel>], iteration_bounds = array<i64: 2, 16>, scalar_prefetch = 0 : i64, scratch_operands = 21 : i64, tpu.core_type = #tpu.core_type<sc_vector_subcore>, window_params = [{transform_indices = #map}, {transform_indices = #map1}, {transform_indices = #map}]} {
    %mul3A = arith.constant 2 : i32
    %mul3A_0 = arith.muli %arg1, %mul3A : i32
    %add3A = arith.addi %mul3A_0, %arg0 : i32
    %mul3A_1 = arith.constant 25600 : i32
    %mul3A_2 = arith.muli %add3A, %mul3A_1 : i32
    %eq3A = arith.constant 0 : i32
    %eq3A_3 = arith.cmpi eq, %arg1, %eq3A : i32
    %convert_element_type3A = arith.extui %eq3A_3 : i1 to i32
    %cond3A = arith.constant 0 : i32
    %cond3A_4 = arith.cmpi ne, %convert_element_type3A, %cond3A : i32
    scf.if %cond3A_4 {
      "tpu.region"() ({
        %run_scoped3A = tpu.sem_alloc : memref<!tpu.dma_semaphore, #tpu.memory_space<semaphore_mem>>
        tpu.enqueue_dma source(%arg2 : memref<9600x128xf32, #tpu.memory_space<hbm>>) target(%arg5 : memref<9600x128xf32, #tpu.memory_space<vmem_shared>>) target_semaphore(%run_scoped3A : memref<!tpu.dma_semaphore, #tpu.memory_space<semaphore_mem>>)
        tpu.wait_dma2 semaphore(%run_scoped3A : memref<!tpu.dma_semaphore, #tpu.memory_space<semaphore_mem>>) src(%arg2 : memref<9600x128xf32, #tpu.memory_space<hbm>>) dst(%arg5 : memref<9600x128xf32, #tpu.memory_space<vmem_shared>>)
        tpu.yield
      }) : () -> ()
    } else {
    }
    %barrier3A = arith.constant 0 : index
    tpu.barrier barrier_id(%barrier3A)
    %add3A_5 = arith.constant 0 : i32
    %add3A_6 = arith.addi %mul3A_2, %add3A_5 : i32
    "tpu.region"() ({
      %run_scoped3A = tpu.sem_alloc : memref<!tpu.dma_semaphore, #tpu.memory_space<semaphore_mem>>
      %dma_start3A_33 = tpu.memref_slice %arg3[%add3A_6] : memref<819200xi32, #tpu.memory_space<hbm>> -> memref<80xi32, #tpu.memory_space<hbm>>
      %dma_start3A_34 = tpu.memref_slice %arg3[%add3A_6] : memref<819200xi32, #tpu.memory_space<hbm>> -> memref<80xi32, #tpu.memory_space<hbm>>
      tpu.enqueue_dma source(%dma_start3A_34 : memref<80xi32, #tpu.memory_space<hbm>>) target(%arg6 : memref<80xi32, #tpu.memory_space<vmem>>) target_semaphore(%run_scoped3A : memref<!tpu.dma_semaphore, #tpu.memory_space<semaphore_mem>>)
      %dma_wait3A = tpu.memref_slice %arg3[%add3A_6] : memref<819200xi32, #tpu.memory_space<hbm>> -> memref<80xi32, #tpu.memory_space<hbm>>
      %dma_wait3A_35 = tpu.memref_slice %arg3[%add3A_6] : memref<819200xi32, #tpu.memory_space<hbm>> -> memref<80xi32, #tpu.memory_space<hbm>>
      tpu.wait_dma2 semaphore(%run_scoped3A : memref<!tpu.dma_semaphore, #tpu.memory_space<semaphore_mem>>) src(%dma_wait3A_35 : memref<80xi32, #tpu.memory_space<hbm>>) dst(%arg6 : memref<80xi32, #tpu.memory_space<vmem>>)
      tpu.yield
    }) : () -> ()
    %dma_start3A = arith.constant 0 : i32
    %dma_start3A_7 = arith.constant 0 : i32
    %dma_start3A_8 = tpu.memref_slice %arg5[%dma_start3A, %dma_start3A_7] : memref<9600x128xf32, #tpu.memory_space<vmem_shared>> -> memref<9600x128xf32, #tpu.memory_space<vmem_shared>>
    tpu.enqueue_indirect_dma source(%dma_start3A_8 : memref<9600x128xf32, #tpu.memory_space<vmem_shared>>) target(%arg11 : memref<80x128xf32, #tpu.memory_space<vmem>>) offsets(%arg6 : memref<80xi32, #tpu.memory_space<vmem>>) semaphore(%arg16 : memref<!tpu.dma_semaphore, #tpu.memory_space<semaphore_mem>>)
    %add3A_9 = arith.constant 80 : i32
    %add3A_10 = arith.addi %mul3A_2, %add3A_9 : i32
    "tpu.region"() ({
      %run_scoped3A = tpu.sem_alloc : memref<!tpu.dma_semaphore, #tpu.memory_space<semaphore_mem>>
      %dma_start3A_33 = tpu.memref_slice %arg3[%add3A_10] : memref<819200xi32, #tpu.memory_space<hbm>> -> memref<80xi32, #tpu.memory_space<hbm>>
      %dma_start3A_34 = tpu.memref_slice %arg3[%add3A_10] : memref<819200xi32, #tpu.memory_space<hbm>> -> memref<80xi32, #tpu.memory_space<hbm>>
      tpu.enqueue_dma source(%dma_start3A_34 : memref<80xi32, #tpu.memory_space<hbm>>) target(%arg7 : memref<80xi32, #tpu.memory_space<vmem>>) target_semaphore(%run_scoped3A : memref<!tpu.dma_semaphore, #tpu.memory_space<semaphore_mem>>)
      %dma_wait3A = tpu.memref_slice %arg3[%add3A_10] : memref<819200xi32, #tpu.memory_space<hbm>> -> memref<80xi32, #tpu.memory_space<hbm>>
      %dma_wait3A_35 = tpu.memref_slice %arg3[%add3A_10] : memref<819200xi32, #tpu.memory_space<hbm>> -> memref<80xi32, #tpu.memory_space<hbm>>
      tpu.wait_dma2 semaphore(%run_scoped3A : memref<!tpu.dma_semaphore, #tpu.memory_space<semaphore_mem>>) src(%dma_wait3A_35 : memref<80xi32, #tpu.memory_space<hbm>>) dst(%arg7 : memref<80xi32, #tpu.memory_space<vmem>>)
      tpu.yield
    }) : () -> ()
    %dma_start3A_11 = arith.constant 0 : i32
    %dma_start3A_12 = arith.constant 0 : i32
    %dma_start3A_13 = tpu.memref_slice %arg5[%dma_start3A_11, %dma_start3A_12] : memref<9600x128xf32, #tpu.memory_space<vmem_shared>> -> memref<9600x128xf32, #tpu.memory_space<vmem_shared>>
    tpu.enqueue_indirect_dma source(%dma_start3A_13 : memref<9600x128xf32, #tpu.memory_space<vmem_shared>>) target(%arg12 : memref<80x128xf32, #tpu.memory_space<vmem>>) offsets(%arg7 : memref<80xi32, #tpu.memory_space<vmem>>) semaphore(%arg17 : memref<!tpu.dma_semaphore, #tpu.memory_space<semaphore_mem>>)
    %add3A_14 = arith.constant 160 : i32
    %add3A_15 = arith.addi %mul3A_2, %add3A_14 : i32
    "tpu.region"() ({
      %run_scoped3A = tpu.sem_alloc : memref<!tpu.dma_semaphore, #tpu.memory_space<semaphore_mem>>
      %dma_start3A_33 = tpu.memref_slice %arg3[%add3A_15] : memref<819200xi32, #tpu.memory_space<hbm>> -> memref<80xi32, #tpu.memory_space<hbm>>
      %dma_start3A_34 = tpu.memref_slice %arg3[%add3A_15] : memref<819200xi32, #tpu.memory_space<hbm>> -> memref<80xi32, #tpu.memory_space<hbm>>
      tpu.enqueue_dma source(%dma_start3A_34 : memref<80xi32, #tpu.memory_space<hbm>>) target(%arg8 : memref<80xi32, #tpu.memory_space<vmem>>) target_semaphore(%run_scoped3A : memref<!tpu.dma_semaphore, #tpu.memory_space<semaphore_mem>>)
      %dma_wait3A = tpu.memref_slice %arg3[%add3A_15] : memref<819200xi32, #tpu.memory_space<hbm>> -> memref<80xi32, #tpu.memory_space<hbm>>
      %dma_wait3A_35 = tpu.memref_slice %arg3[%add3A_15] : memref<819200xi32, #tpu.memory_space<hbm>> -> memref<80xi32, #tpu.memory_space<hbm>>
      tpu.wait_dma2 semaphore(%run_scoped3A : memref<!tpu.dma_semaphore, #tpu.memory_space<semaphore_mem>>) src(%dma_wait3A_35 : memref<80xi32, #tpu.memory_space<hbm>>) dst(%arg8 : memref<80xi32, #tpu.memory_space<vmem>>)
      tpu.yield
    }) : () -> ()
    %dma_start3A_16 = arith.constant 0 : i32
    %dma_start3A_17 = arith.constant 0 : i32
    %dma_start3A_18 = tpu.memref_slice %arg5[%dma_start3A_16, %dma_start3A_17] : memref<9600x128xf32, #tpu.memory_space<vmem_shared>> -> memref<9600x128xf32, #tpu.memory_space<vmem_shared>>
    tpu.enqueue_indirect_dma source(%dma_start3A_18 : memref<9600x128xf32, #tpu.memory_space<vmem_shared>>) target(%arg13 : memref<80x128xf32, #tpu.memory_space<vmem>>) offsets(%arg8 : memref<80xi32, #tpu.memory_space<vmem>>) semaphore(%arg18 : memref<!tpu.dma_semaphore, #tpu.memory_space<semaphore_mem>>)
    %add3A_19 = arith.constant 240 : i32
    %add3A_20 = arith.addi %mul3A_2, %add3A_19 : i32
    "tpu.region"() ({
      %run_scoped3A = tpu.sem_alloc : memref<!tpu.dma_semaphore, #tpu.memory_space<semaphore_mem>>
      %dma_start3A_33 = tpu.memref_slice %arg3[%add3A_20] : memref<819200xi32, #tpu.memory_space<hbm>> -> memref<80xi32, #tpu.memory_space<hbm>>
      %dma_start3A_34 = tpu.memref_slice %arg3[%add3A_20] : memref<819200xi32, #tpu.memory_space<hbm>> -> memref<80xi32, #tpu.memory_space<hbm>>
      tpu.enqueue_dma source(%dma_start3A_34 : memref<80xi32, #tpu.memory_space<hbm>>) target(%arg9 : memref<80xi32, #tpu.memory_space<vmem>>) target_semaphore(%run_scoped3A : memref<!tpu.dma_semaphore, #tpu.memory_space<semaphore_mem>>)
      %dma_wait3A = tpu.memref_slice %arg3[%add3A_20] : memref<819200xi32, #tpu.memory_space<hbm>> -> memref<80xi32, #tpu.memory_space<hbm>>
      %dma_wait3A_35 = tpu.memref_slice %arg3[%add3A_20] : memref<819200xi32, #tpu.memory_space<hbm>> -> memref<80xi32, #tpu.memory_space<hbm>>
      tpu.wait_dma2 semaphore(%run_scoped3A : memref<!tpu.dma_semaphore, #tpu.memory_space<semaphore_mem>>) src(%dma_wait3A_35 : memref<80xi32, #tpu.memory_space<hbm>>) dst(%arg9 : memref<80xi32, #tpu.memory_space<vmem>>)
      tpu.yield
    }) : () -> ()
    %dma_start3A_21 = arith.constant 0 : i32
    %dma_start3A_22 = arith.constant 0 : i32
    %dma_start3A_23 = tpu.memref_slice %arg5[%dma_start3A_21, %dma_start3A_22] : memref<9600x128xf32, #tpu.memory_space<vmem_shared>> -> memref<9600x128xf32, #tpu.memory_space<vmem_shared>>
    tpu.enqueue_indirect_dma source(%dma_start3A_23 : memref<9600x128xf32, #tpu.memory_space<vmem_shared>>) target(%arg14 : memref<80x128xf32, #tpu.memory_space<vmem>>) offsets(%arg9 : memref<80xi32, #tpu.memory_space<vmem>>) semaphore(%arg19 : memref<!tpu.dma_semaphore, #tpu.memory_space<semaphore_mem>>)
    %add3A_24 = arith.constant 320 : i32
    %add3A_25 = arith.addi %mul3A_2, %add3A_24 : i32
    "tpu.region"() ({
      %run_scoped3A = tpu.sem_alloc : memref<!tpu.dma_semaphore, #tpu.memory_space<semaphore_mem>>
      %dma_start3A_33 = tpu.memref_slice %arg3[%add3A_25] : memref<819200xi32, #tpu.memory_space<hbm>> -> memref<80xi32, #tpu.memory_space<hbm>>
      %dma_start3A_34 = tpu.memref_slice %arg3[%add3A_25] : memref<819200xi32, #tpu.memory_space<hbm>> -> memref<80xi32, #tpu.memory_space<hbm>>
      tpu.enqueue_dma source(%dma_start3A_34 : memref<80xi32, #tpu.memory_space<hbm>>) target(%arg10 : memref<80xi32, #tpu.memory_space<vmem>>) target_semaphore(%run_scoped3A : memref<!tpu.dma_semaphore, #tpu.memory_space<semaphore_mem>>)
      %dma_wait3A = tpu.memref_slice %arg3[%add3A_25] : memref<819200xi32, #tpu.memory_space<hbm>> -> memref<80xi32, #tpu.memory_space<hbm>>
      %dma_wait3A_35 = tpu.memref_slice %arg3[%add3A_25] : memref<819200xi32, #tpu.memory_space<hbm>> -> memref<80xi32, #tpu.memory_space<hbm>>
      tpu.wait_dma2 semaphore(%run_scoped3A : memref<!tpu.dma_semaphore, #tpu.memory_space<semaphore_mem>>) src(%dma_wait3A_35 : memref<80xi32, #tpu.memory_space<hbm>>) dst(%arg10 : memref<80xi32, #tpu.memory_space<vmem>>)
      tpu.yield
    }) : () -> ()
    %dma_start3A_26 = arith.constant 0 : i32
    %dma_start3A_27 = arith.constant 0 : i32
    %dma_start3A_28 = tpu.memref_slice %arg5[%dma_start3A_26, %dma_start3A_27] : memref<9600x128xf32, #tpu.memory_space<vmem_shared>> -> memref<9600x128xf32, #tpu.memory_space<vmem_shared>>
    tpu.enqueue_indirect_dma source(%dma_start3A_28 : memref<9600x128xf32, #tpu.memory_space<vmem_shared>>) target(%arg15 : memref<80x128xf32, #tpu.memory_space<vmem>>) offsets(%arg10 : memref<80xi32, #tpu.memory_space<vmem>>) semaphore(%arg20 : memref<!tpu.dma_semaphore, #tpu.memory_space<semaphore_mem>>)
    %scan3A = arith.constant 0 : i32
    %scan3A_29 = arith.constant 64 : i32
    %scan3A_30 = arith.addi %scan3A, %scan3A_29 : i32
    %scan3A_31 = arith.constant 1 : i32
    scf.for %scan3A_33 = %scan3A to %scan3A_30 step %scan3A_31  : i32 {
      %mul3A_34 = arith.constant 5 : i32
      %mul3A_35 = arith.muli %scan3A_33, %mul3A_34 : i32
      %add3A_36 = arith.constant 0 : i32
      %add3A_37 = arith.addi %add3A_36, %mul3A_35 : i32
      %add3A_38 = arith.constant 0 : i32
      %add3A_39 = arith.addi %add3A_37, %add3A_38 : i32
      %dma_wait3A = arith.constant 0 : i32
      %dma_wait3A_40 = arith.constant 0 : i32
      %dma_wait3A_41 = tpu.memref_slice %arg5[%dma_wait3A, %dma_wait3A_40] : memref<9600x128xf32, #tpu.memory_space<vmem_shared>> -> memref<9600x128xf32, #tpu.memory_space<vmem_shared>>
      tpu.wait_indirect_dma semaphore(%arg16 : memref<!tpu.dma_semaphore, #tpu.memory_space<semaphore_mem>>) src(%dma_wait3A_41 : memref<9600x128xf32, #tpu.memory_space<vmem_shared>>) dst(%arg11 : memref<80x128xf32, #tpu.memory_space<vmem>>)
      %mul3A_42 = arith.constant 80 : i32
      %mul3A_43 = arith.muli %add3A_39, %mul3A_42 : i32
      %add3A_44 = arith.addi %mul3A_2, %mul3A_43 : i32
      %dma_start3A_45 = arith.constant 0 : i32
      %dma_start3A_46 = tpu.memref_slice %arg4[%add3A_44, %dma_start3A_45] : memref<819200x128xf32, #tpu.memory_space<hbm>> -> memref<80x128xf32, #tpu.memory_space<hbm>>
      %dma_start3A_47 = arith.constant 0 : i32
      %dma_start3A_48 = tpu.memref_slice %arg4[%add3A_44, %dma_start3A_47] : memref<819200x128xf32, #tpu.memory_space<hbm>> -> memref<80x128xf32, #tpu.memory_space<hbm>>
      tpu.enqueue_dma source(%arg11 : memref<80x128xf32, #tpu.memory_space<vmem>>) target(%dma_start3A_48 : memref<80x128xf32, #tpu.memory_space<hbm>>) target_semaphore(%arg21 : memref<!tpu.dma_semaphore, #tpu.memory_space<semaphore_mem>>)
      %add3A_49 = arith.constant 5 : i32
      %add3A_50 = arith.addi %add3A_39, %add3A_49 : i32
      %lt3A = arith.constant 320 : i32
      %lt3A_51 = arith.cmpi slt, %add3A_50, %lt3A : i32
      %convert_element_type3A_52 = arith.extui %lt3A_51 : i1 to i32
      %cond3A_53 = arith.constant 0 : i32
      %cond3A_54 = arith.cmpi ne, %convert_element_type3A_52, %cond3A_53 : i32
      scf.if %cond3A_54 {
        %add3A_211 = arith.constant 5 : i32
        %add3A_212 = arith.addi %add3A_39, %add3A_211 : i32
        %mul3A_213 = arith.constant 80 : i32
        %mul3A_214 = arith.muli %add3A_212, %mul3A_213 : i32
        %add3A_215 = arith.addi %mul3A_2, %mul3A_214 : i32
        "tpu.region"() ({
          %run_scoped3A = tpu.sem_alloc : memref<!tpu.dma_semaphore, #tpu.memory_space<semaphore_mem>>
          %dma_start3A_216 = tpu.memref_slice %arg3[%add3A_215] : memref<819200xi32, #tpu.memory_space<hbm>> -> memref<80xi32, #tpu.memory_space<hbm>>
          %dma_start3A_217 = tpu.memref_slice %arg3[%add3A_215] : memref<819200xi32, #tpu.memory_space<hbm>> -> memref<80xi32, #tpu.memory_space<hbm>>
          tpu.enqueue_dma source(%dma_start3A_217 : memref<80xi32, #tpu.memory_space<hbm>>) target(%arg6 : memref<80xi32, #tpu.memory_space<vmem>>) target_semaphore(%run_scoped3A : memref<!tpu.dma_semaphore, #tpu.memory_space<semaphore_mem>>)
          %dma_wait3A_218 = tpu.memref_slice %arg3[%add3A_215] : memref<819200xi32, #tpu.memory_space<hbm>> -> memref<80xi32, #tpu.memory_space<hbm>>
          %dma_wait3A_219 = tpu.memref_slice %arg3[%add3A_215] : memref<819200xi32, #tpu.memory_space<hbm>> -> memref<80xi32, #tpu.memory_space<hbm>>
          tpu.wait_dma2 semaphore(%run_scoped3A : memref<!tpu.dma_semaphore, #tpu.memory_space<semaphore_mem>>) src(%dma_wait3A_219 : memref<80xi32, #tpu.memory_space<hbm>>) dst(%arg6 : memref<80xi32, #tpu.memory_space<vmem>>)
          tpu.yield
        }) : () -> ()
      } else {
      }
      %add3A_55 = arith.constant 1 : i32
      %add3A_56 = arith.addi %add3A_37, %add3A_55 : i32
      %dma_wait3A_57 = arith.constant 0 : i32
      %dma_wait3A_58 = arith.constant 0 : i32
      %dma_wait3A_59 = tpu.memref_slice %arg5[%dma_wait3A_57, %dma_wait3A_58] : memref<9600x128xf32, #tpu.memory_space<vmem_shared>> -> memref<9600x128xf32, #tpu.memory_space<vmem_shared>>
      tpu.wait_indirect_dma semaphore(%arg17 : memref<!tpu.dma_semaphore, #tpu.memory_space<semaphore_mem>>) src(%dma_wait3A_59 : memref<9600x128xf32, #tpu.memory_space<vmem_shared>>) dst(%arg12 : memref<80x128xf32, #tpu.memory_space<vmem>>)
      %mul3A_60 = arith.constant 80 : i32
      %mul3A_61 = arith.muli %add3A_56, %mul3A_60 : i32
      %add3A_62 = arith.addi %mul3A_2, %mul3A_61 : i32
      %dma_start3A_63 = arith.constant 0 : i32
      %dma_start3A_64 = tpu.memref_slice %arg4[%add3A_62, %dma_start3A_63] : memref<819200x128xf32, #tpu.memory_space<hbm>> -> memref<80x128xf32, #tpu.memory_space<hbm>>
      %dma_start3A_65 = arith.constant 0 : i32
      %dma_start3A_66 = tpu.memref_slice %arg4[%add3A_62, %dma_start3A_65] : memref<819200x128xf32, #tpu.memory_space<hbm>> -> memref<80x128xf32, #tpu.memory_space<hbm>>
      tpu.enqueue_dma source(%arg12 : memref<80x128xf32, #tpu.memory_space<vmem>>) target(%dma_start3A_66 : memref<80x128xf32, #tpu.memory_space<hbm>>) target_semaphore(%arg22 : memref<!tpu.dma_semaphore, #tpu.memory_space<semaphore_mem>>)
      %add3A_67 = arith.constant 5 : i32
      %add3A_68 = arith.addi %add3A_56, %add3A_67 : i32
      %lt3A_69 = arith.constant 320 : i32
      %lt3A_70 = arith.cmpi slt, %add3A_68, %lt3A_69 : i32
      %convert_element_type3A_71 = arith.extui %lt3A_70 : i1 to i32
      %cond3A_72 = arith.constant 0 : i32
      %cond3A_73 = arith.cmpi ne, %convert_element_type3A_71, %cond3A_72 : i32
      scf.if %cond3A_73 {
        %add3A_211 = arith.constant 5 : i32
        %add3A_212 = arith.addi %add3A_56, %add3A_211 : i32
        %mul3A_213 = arith.constant 80 : i32
        %mul3A_214 = arith.muli %add3A_212, %mul3A_213 : i32
        %add3A_215 = arith.addi %mul3A_2, %mul3A_214 : i32
        "tpu.region"() ({
          %run_scoped3A = tpu.sem_alloc : memref<!tpu.dma_semaphore, #tpu.memory_space<semaphore_mem>>
          %dma_start3A_216 = tpu.memref_slice %arg3[%add3A_215] : memref<819200xi32, #tpu.memory_space<hbm>> -> memref<80xi32, #tpu.memory_space<hbm>>
          %dma_start3A_217 = tpu.memref_slice %arg3[%add3A_215] : memref<819200xi32, #tpu.memory_space<hbm>> -> memref<80xi32, #tpu.memory_space<hbm>>
          tpu.enqueue_dma source(%dma_start3A_217 : memref<80xi32, #tpu.memory_space<hbm>>) target(%arg7 : memref<80xi32, #tpu.memory_space<vmem>>) target_semaphore(%run_scoped3A : memref<!tpu.dma_semaphore, #tpu.memory_space<semaphore_mem>>)
          %dma_wait3A_218 = tpu.memref_slice %arg3[%add3A_215] : memref<819200xi32, #tpu.memory_space<hbm>> -> memref<80xi32, #tpu.memory_space<hbm>>
          %dma_wait3A_219 = tpu.memref_slice %arg3[%add3A_215] : memref<819200xi32, #tpu.memory_space<hbm>> -> memref<80xi32, #tpu.memory_space<hbm>>
          tpu.wait_dma2 semaphore(%run_scoped3A : memref<!tpu.dma_semaphore, #tpu.memory_space<semaphore_mem>>) src(%dma_wait3A_219 : memref<80xi32, #tpu.memory_space<hbm>>) dst(%arg7 : memref<80xi32, #tpu.memory_space<vmem>>)
          tpu.yield
        }) : () -> ()
      } else {
      }
      %add3A_74 = arith.constant 2 : i32
      %add3A_75 = arith.addi %add3A_37, %add3A_74 : i32
      %dma_wait3A_76 = arith.constant 0 : i32
      %dma_wait3A_77 = arith.constant 0 : i32
      %dma_wait3A_78 = tpu.memref_slice %arg5[%dma_wait3A_76, %dma_wait3A_77] : memref<9600x128xf32, #tpu.memory_space<vmem_shared>> -> memref<9600x128xf32, #tpu.memory_space<vmem_shared>>
      tpu.wait_indirect_dma semaphore(%arg18 : memref<!tpu.dma_semaphore, #tpu.memory_space<semaphore_mem>>) src(%dma_wait3A_78 : memref<9600x128xf32, #tpu.memory_space<vmem_shared>>) dst(%arg13 : memref<80x128xf32, #tpu.memory_space<vmem>>)
      %mul3A_79 = arith.constant 80 : i32
      %mul3A_80 = arith.muli %add3A_75, %mul3A_79 : i32
      %add3A_81 = arith.addi %mul3A_2, %mul3A_80 : i32
      %dma_start3A_82 = arith.constant 0 : i32
      %dma_start3A_83 = tpu.memref_slice %arg4[%add3A_81, %dma_start3A_82] : memref<819200x128xf32, #tpu.memory_space<hbm>> -> memref<80x128xf32, #tpu.memory_space<hbm>>
      %dma_start3A_84 = arith.constant 0 : i32
      %dma_start3A_85 = tpu.memref_slice %arg4[%add3A_81, %dma_start3A_84] : memref<819200x128xf32, #tpu.memory_space<hbm>> -> memref<80x128xf32, #tpu.memory_space<hbm>>
      tpu.enqueue_dma source(%arg13 : memref<80x128xf32, #tpu.memory_space<vmem>>) target(%dma_start3A_85 : memref<80x128xf32, #tpu.memory_space<hbm>>) target_semaphore(%arg23 : memref<!tpu.dma_semaphore, #tpu.memory_space<semaphore_mem>>)
      %add3A_86 = arith.constant 5 : i32
      %add3A_87 = arith.addi %add3A_75, %add3A_86 : i32
      %lt3A_88 = arith.constant 320 : i32
      %lt3A_89 = arith.cmpi slt, %add3A_87, %lt3A_88 : i32
      %convert_element_type3A_90 = arith.extui %lt3A_89 : i1 to i32
      %cond3A_91 = arith.constant 0 : i32
      %cond3A_92 = arith.cmpi ne, %convert_element_type3A_90, %cond3A_91 : i32
      scf.if %cond3A_92 {
        %add3A_211 = arith.constant 5 : i32
        %add3A_212 = arith.addi %add3A_75, %add3A_211 : i32
        %mul3A_213 = arith.constant 80 : i32
        %mul3A_214 = arith.muli %add3A_212, %mul3A_213 : i32
        %add3A_215 = arith.addi %mul3A_2, %mul3A_214 : i32
        "tpu.region"() ({
          %run_scoped3A = tpu.sem_alloc : memref<!tpu.dma_semaphore, #tpu.memory_space<semaphore_mem>>
          %dma_start3A_216 = tpu.memref_slice %arg3[%add3A_215] : memref<819200xi32, #tpu.memory_space<hbm>> -> memref<80xi32, #tpu.memory_space<hbm>>
          %dma_start3A_217 = tpu.memref_slice %arg3[%add3A_215] : memref<819200xi32, #tpu.memory_space<hbm>> -> memref<80xi32, #tpu.memory_space<hbm>>
          tpu.enqueue_dma source(%dma_start3A_217 : memref<80xi32, #tpu.memory_space<hbm>>) target(%arg8 : memref<80xi32, #tpu.memory_space<vmem>>) target_semaphore(%run_scoped3A : memref<!tpu.dma_semaphore, #tpu.memory_space<semaphore_mem>>)
          %dma_wait3A_218 = tpu.memref_slice %arg3[%add3A_215] : memref<819200xi32, #tpu.memory_space<hbm>> -> memref<80xi32, #tpu.memory_space<hbm>>
          %dma_wait3A_219 = tpu.memref_slice %arg3[%add3A_215] : memref<819200xi32, #tpu.memory_space<hbm>> -> memref<80xi32, #tpu.memory_space<hbm>>
          tpu.wait_dma2 semaphore(%run_scoped3A : memref<!tpu.dma_semaphore, #tpu.memory_space<semaphore_mem>>) src(%dma_wait3A_219 : memref<80xi32, #tpu.memory_space<hbm>>) dst(%arg8 : memref<80xi32, #tpu.memory_space<vmem>>)
          tpu.yield
        }) : () -> ()
      } else {
      }
      %add3A_93 = arith.constant 3 : i32
      %add3A_94 = arith.addi %add3A_37, %add3A_93 : i32
      %dma_wait3A_95 = arith.constant 0 : i32
      %dma_wait3A_96 = arith.constant 0 : i32
      %dma_wait3A_97 = tpu.memref_slice %arg5[%dma_wait3A_95, %dma_wait3A_96] : memref<9600x128xf32, #tpu.memory_space<vmem_shared>> -> memref<9600x128xf32, #tpu.memory_space<vmem_shared>>
      tpu.wait_indirect_dma semaphore(%arg19 : memref<!tpu.dma_semaphore, #tpu.memory_space<semaphore_mem>>) src(%dma_wait3A_97 : memref<9600x128xf32, #tpu.memory_space<vmem_shared>>) dst(%arg14 : memref<80x128xf32, #tpu.memory_space<vmem>>)
      %mul3A_98 = arith.constant 80 : i32
      %mul3A_99 = arith.muli %add3A_94, %mul3A_98 : i32
      %add3A_100 = arith.addi %mul3A_2, %mul3A_99 : i32
      %dma_start3A_101 = arith.constant 0 : i32
      %dma_start3A_102 = tpu.memref_slice %arg4[%add3A_100, %dma_start3A_101] : memref<819200x128xf32, #tpu.memory_space<hbm>> -> memref<80x128xf32, #tpu.memory_space<hbm>>
      %dma_start3A_103 = arith.constant 0 : i32
      %dma_start3A_104 = tpu.memref_slice %arg4[%add3A_100, %dma_start3A_103] : memref<819200x128xf32, #tpu.memory_space<hbm>> -> memref<80x128xf32, #tpu.memory_space<hbm>>
      tpu.enqueue_dma source(%arg14 : memref<80x128xf32, #tpu.memory_space<vmem>>) target(%dma_start3A_104 : memref<80x128xf32, #tpu.memory_space<hbm>>) target_semaphore(%arg24 : memref<!tpu.dma_semaphore, #tpu.memory_space<semaphore_mem>>)
      %add3A_105 = arith.constant 5 : i32
      %add3A_106 = arith.addi %add3A_94, %add3A_105 : i32
      %lt3A_107 = arith.constant 320 : i32
      %lt3A_108 = arith.cmpi slt, %add3A_106, %lt3A_107 : i32
      %convert_element_type3A_109 = arith.extui %lt3A_108 : i1 to i32
      %cond3A_110 = arith.constant 0 : i32
      %cond3A_111 = arith.cmpi ne, %convert_element_type3A_109, %cond3A_110 : i32
      scf.if %cond3A_111 {
        %add3A_211 = arith.constant 5 : i32
        %add3A_212 = arith.addi %add3A_94, %add3A_211 : i32
        %mul3A_213 = arith.constant 80 : i32
        %mul3A_214 = arith.muli %add3A_212, %mul3A_213 : i32
        %add3A_215 = arith.addi %mul3A_2, %mul3A_214 : i32
        "tpu.region"() ({
          %run_scoped3A = tpu.sem_alloc : memref<!tpu.dma_semaphore, #tpu.memory_space<semaphore_mem>>
          %dma_start3A_216 = tpu.memref_slice %arg3[%add3A_215] : memref<819200xi32, #tpu.memory_space<hbm>> -> memref<80xi32, #tpu.memory_space<hbm>>
          %dma_start3A_217 = tpu.memref_slice %arg3[%add3A_215] : memref<819200xi32, #tpu.memory_space<hbm>> -> memref<80xi32, #tpu.memory_space<hbm>>
          tpu.enqueue_dma source(%dma_start3A_217 : memref<80xi32, #tpu.memory_space<hbm>>) target(%arg9 : memref<80xi32, #tpu.memory_space<vmem>>) target_semaphore(%run_scoped3A : memref<!tpu.dma_semaphore, #tpu.memory_space<semaphore_mem>>)
          %dma_wait3A_218 = tpu.memref_slice %arg3[%add3A_215] : memref<819200xi32, #tpu.memory_space<hbm>> -> memref<80xi32, #tpu.memory_space<hbm>>
          %dma_wait3A_219 = tpu.memref_slice %arg3[%add3A_215] : memref<819200xi32, #tpu.memory_space<hbm>> -> memref<80xi32, #tpu.memory_space<hbm>>
          tpu.wait_dma2 semaphore(%run_scoped3A : memref<!tpu.dma_semaphore, #tpu.memory_space<semaphore_mem>>) src(%dma_wait3A_219 : memref<80xi32, #tpu.memory_space<hbm>>) dst(%arg9 : memref<80xi32, #tpu.memory_space<vmem>>)
          tpu.yield
        }) : () -> ()
      } else {
      }
      %add3A_112 = arith.constant 4 : i32
      %add3A_113 = arith.addi %add3A_37, %add3A_112 : i32
      %dma_wait3A_114 = arith.constant 0 : i32
      %dma_wait3A_115 = arith.constant 0 : i32
      %dma_wait3A_116 = tpu.memref_slice %arg5[%dma_wait3A_114, %dma_wait3A_115] : memref<9600x128xf32, #tpu.memory_space<vmem_shared>> -> memref<9600x128xf32, #tpu.memory_space<vmem_shared>>
      tpu.wait_indirect_dma semaphore(%arg20 : memref<!tpu.dma_semaphore, #tpu.memory_space<semaphore_mem>>) src(%dma_wait3A_116 : memref<9600x128xf32, #tpu.memory_space<vmem_shared>>) dst(%arg15 : memref<80x128xf32, #tpu.memory_space<vmem>>)
      %mul3A_117 = arith.constant 80 : i32
      %mul3A_118 = arith.muli %add3A_113, %mul3A_117 : i32
      %add3A_119 = arith.addi %mul3A_2, %mul3A_118 : i32
      %dma_start3A_120 = arith.constant 0 : i32
      %dma_start3A_121 = tpu.memref_slice %arg4[%add3A_119, %dma_start3A_120] : memref<819200x128xf32, #tpu.memory_space<hbm>> -> memref<80x128xf32, #tpu.memory_space<hbm>>
      %dma_start3A_122 = arith.constant 0 : i32
      %dma_start3A_123 = tpu.memref_slice %arg4[%add3A_119, %dma_start3A_122] : memref<819200x128xf32, #tpu.memory_space<hbm>> -> memref<80x128xf32, #tpu.memory_space<hbm>>
      tpu.enqueue_dma source(%arg15 : memref<80x128xf32, #tpu.memory_space<vmem>>) target(%dma_start3A_123 : memref<80x128xf32, #tpu.memory_space<hbm>>) target_semaphore(%arg25 : memref<!tpu.dma_semaphore, #tpu.memory_space<semaphore_mem>>)
      %add3A_124 = arith.constant 5 : i32
      %add3A_125 = arith.addi %add3A_113, %add3A_124 : i32
      %lt3A_126 = arith.constant 320 : i32
      %lt3A_127 = arith.cmpi slt, %add3A_125, %lt3A_126 : i32
      %convert_element_type3A_128 = arith.extui %lt3A_127 : i1 to i32
      %cond3A_129 = arith.constant 0 : i32
      %cond3A_130 = arith.cmpi ne, %convert_element_type3A_128, %cond3A_129 : i32
      scf.if %cond3A_130 {
        %add3A_211 = arith.constant 5 : i32
        %add3A_212 = arith.addi %add3A_113, %add3A_211 : i32
        %mul3A_213 = arith.constant 80 : i32
        %mul3A_214 = arith.muli %add3A_212, %mul3A_213 : i32
        %add3A_215 = arith.addi %mul3A_2, %mul3A_214 : i32
        "tpu.region"() ({
          %run_scoped3A = tpu.sem_alloc : memref<!tpu.dma_semaphore, #tpu.memory_space<semaphore_mem>>
          %dma_start3A_216 = tpu.memref_slice %arg3[%add3A_215] : memref<819200xi32, #tpu.memory_space<hbm>> -> memref<80xi32, #tpu.memory_space<hbm>>
          %dma_start3A_217 = tpu.memref_slice %arg3[%add3A_215] : memref<819200xi32, #tpu.memory_space<hbm>> -> memref<80xi32, #tpu.memory_space<hbm>>
          tpu.enqueue_dma source(%dma_start3A_217 : memref<80xi32, #tpu.memory_space<hbm>>) target(%arg10 : memref<80xi32, #tpu.memory_space<vmem>>) target_semaphore(%run_scoped3A : memref<!tpu.dma_semaphore, #tpu.memory_space<semaphore_mem>>)
          %dma_wait3A_218 = tpu.memref_slice %arg3[%add3A_215] : memref<819200xi32, #tpu.memory_space<hbm>> -> memref<80xi32, #tpu.memory_space<hbm>>
          %dma_wait3A_219 = tpu.memref_slice %arg3[%add3A_215] : memref<819200xi32, #tpu.memory_space<hbm>> -> memref<80xi32, #tpu.memory_space<hbm>>
          tpu.wait_dma2 semaphore(%run_scoped3A : memref<!tpu.dma_semaphore, #tpu.memory_space<semaphore_mem>>) src(%dma_wait3A_219 : memref<80xi32, #tpu.memory_space<hbm>>) dst(%arg10 : memref<80xi32, #tpu.memory_space<vmem>>)
          tpu.yield
        }) : () -> ()
      } else {
      }
      %add3A_131 = arith.constant 0 : i32
      %add3A_132 = arith.addi %add3A_37, %add3A_131 : i32
      %mul3A_133 = arith.constant 80 : i32
      %mul3A_134 = arith.muli %add3A_132, %mul3A_133 : i32
      %add3A_135 = arith.addi %mul3A_2, %mul3A_134 : i32
      %dma_wait3A_136 = arith.constant 0 : i32
      %dma_wait3A_137 = tpu.memref_slice %arg4[%add3A_135, %dma_wait3A_136] : memref<819200x128xf32, #tpu.memory_space<hbm>> -> memref<80x128xf32, #tpu.memory_space<hbm>>
      %dma_wait3A_138 = arith.constant 0 : i32
      %dma_wait3A_139 = tpu.memref_slice %arg4[%add3A_135, %dma_wait3A_138] : memref<819200x128xf32, #tpu.memory_space<hbm>> -> memref<80x128xf32, #tpu.memory_space<hbm>>
      tpu.wait_dma2 semaphore(%arg21 : memref<!tpu.dma_semaphore, #tpu.memory_space<semaphore_mem>>) src(%arg11 : memref<80x128xf32, #tpu.memory_space<vmem>>) dst(%dma_wait3A_139 : memref<80x128xf32, #tpu.memory_space<hbm>>)
      %add3A_140 = arith.constant 5 : i32
      %add3A_141 = arith.addi %add3A_132, %add3A_140 : i32
      %lt3A_142 = arith.constant 320 : i32
      %lt3A_143 = arith.cmpi slt, %add3A_141, %lt3A_142 : i32
      %convert_element_type3A_144 = arith.extui %lt3A_143 : i1 to i32
      %cond3A_145 = arith.constant 0 : i32
      %cond3A_146 = arith.cmpi ne, %convert_element_type3A_144, %cond3A_145 : i32
      scf.if %cond3A_146 {
        %add3A_211 = arith.constant 5 : i32
        %add3A_212 = arith.addi %add3A_132, %add3A_211 : i32
        %dma_start3A_213 = arith.constant 0 : i32
        %dma_start3A_214 = arith.constant 0 : i32
        %dma_start3A_215 = tpu.memref_slice %arg5[%dma_start3A_213, %dma_start3A_214] : memref<9600x128xf32, #tpu.memory_space<vmem_shared>> -> memref<9600x128xf32, #tpu.memory_space<vmem_shared>>
        tpu.enqueue_indirect_dma source(%dma_start3A_215 : memref<9600x128xf32, #tpu.memory_space<vmem_shared>>) target(%arg11 : memref<80x128xf32, #tpu.memory_space<vmem>>) offsets(%arg6 : memref<80xi32, #tpu.memory_space<vmem>>) semaphore(%arg16 : memref<!tpu.dma_semaphore, #tpu.memory_space<semaphore_mem>>)
      } else {
      }
      %add3A_147 = arith.constant 1 : i32
      %add3A_148 = arith.addi %add3A_37, %add3A_147 : i32
      %mul3A_149 = arith.constant 80 : i32
      %mul3A_150 = arith.muli %add3A_148, %mul3A_149 : i32
      %add3A_151 = arith.addi %mul3A_2, %mul3A_150 : i32
      %dma_wait3A_152 = arith.constant 0 : i32
      %dma_wait3A_153 = tpu.memref_slice %arg4[%add3A_151, %dma_wait3A_152] : memref<819200x128xf32, #tpu.memory_space<hbm>> -> memref<80x128xf32, #tpu.memory_space<hbm>>
      %dma_wait3A_154 = arith.constant 0 : i32
      %dma_wait3A_155 = tpu.memref_slice %arg4[%add3A_151, %dma_wait3A_154] : memref<819200x128xf32, #tpu.memory_space<hbm>> -> memref<80x128xf32, #tpu.memory_space<hbm>>
      tpu.wait_dma2 semaphore(%arg22 : memref<!tpu.dma_semaphore, #tpu.memory_space<semaphore_mem>>) src(%arg12 : memref<80x128xf32, #tpu.memory_space<vmem>>) dst(%dma_wait3A_155 : memref<80x128xf32, #tpu.memory_space<hbm>>)
      %add3A_156 = arith.constant 5 : i32
      %add3A_157 = arith.addi %add3A_148, %add3A_156 : i32
      %lt3A_158 = arith.constant 320 : i32
      %lt3A_159 = arith.cmpi slt, %add3A_157, %lt3A_158 : i32
      %convert_element_type3A_160 = arith.extui %lt3A_159 : i1 to i32
      %cond3A_161 = arith.constant 0 : i32
      %cond3A_162 = arith.cmpi ne, %convert_element_type3A_160, %cond3A_161 : i32
      scf.if %cond3A_162 {
        %add3A_211 = arith.constant 5 : i32
        %add3A_212 = arith.addi %add3A_148, %add3A_211 : i32
        %dma_start3A_213 = arith.constant 0 : i32
        %dma_start3A_214 = arith.constant 0 : i32
        %dma_start3A_215 = tpu.memref_slice %arg5[%dma_start3A_213, %dma_start3A_214] : memref<9600x128xf32, #tpu.memory_space<vmem_shared>> -> memref<9600x128xf32, #tpu.memory_space<vmem_shared>>
        tpu.enqueue_indirect_dma source(%dma_start3A_215 : memref<9600x128xf32, #tpu.memory_space<vmem_shared>>) target(%arg12 : memref<80x128xf32, #tpu.memory_space<vmem>>) offsets(%arg7 : memref<80xi32, #tpu.memory_space<vmem>>) semaphore(%arg17 : memref<!tpu.dma_semaphore, #tpu.memory_space<semaphore_mem>>)
      } else {
      }
      %add3A_163 = arith.constant 2 : i32
      %add3A_164 = arith.addi %add3A_37, %add3A_163 : i32
      %mul3A_165 = arith.constant 80 : i32
      %mul3A_166 = arith.muli %add3A_164, %mul3A_165 : i32
      %add3A_167 = arith.addi %mul3A_2, %mul3A_166 : i32
      %dma_wait3A_168 = arith.constant 0 : i32
      %dma_wait3A_169 = tpu.memref_slice %arg4[%add3A_167, %dma_wait3A_168] : memref<819200x128xf32, #tpu.memory_space<hbm>> -> memref<80x128xf32, #tpu.memory_space<hbm>>
      %dma_wait3A_170 = arith.constant 0 : i32
      %dma_wait3A_171 = tpu.memref_slice %arg4[%add3A_167, %dma_wait3A_170] : memref<819200x128xf32, #tpu.memory_space<hbm>> -> memref<80x128xf32, #tpu.memory_space<hbm>>
      tpu.wait_dma2 semaphore(%arg23 : memref<!tpu.dma_semaphore, #tpu.memory_space<semaphore_mem>>) src(%arg13 : memref<80x128xf32, #tpu.memory_space<vmem>>) dst(%dma_wait3A_171 : memref<80x128xf32, #tpu.memory_space<hbm>>)
      %add3A_172 = arith.constant 5 : i32
      %add3A_173 = arith.addi %add3A_164, %add3A_172 : i32
      %lt3A_174 = arith.constant 320 : i32
      %lt3A_175 = arith.cmpi slt, %add3A_173, %lt3A_174 : i32
      %convert_element_type3A_176 = arith.extui %lt3A_175 : i1 to i32
      %cond3A_177 = arith.constant 0 : i32
      %cond3A_178 = arith.cmpi ne, %convert_element_type3A_176, %cond3A_177 : i32
      scf.if %cond3A_178 {
        %add3A_211 = arith.constant 5 : i32
        %add3A_212 = arith.addi %add3A_164, %add3A_211 : i32
        %dma_start3A_213 = arith.constant 0 : i32
        %dma_start3A_214 = arith.constant 0 : i32
        %dma_start3A_215 = tpu.memref_slice %arg5[%dma_start3A_213, %dma_start3A_214] : memref<9600x128xf32, #tpu.memory_space<vmem_shared>> -> memref<9600x128xf32, #tpu.memory_space<vmem_shared>>
        tpu.enqueue_indirect_dma source(%dma_start3A_215 : memref<9600x128xf32, #tpu.memory_space<vmem_shared>>) target(%arg13 : memref<80x128xf32, #tpu.memory_space<vmem>>) offsets(%arg8 : memref<80xi32, #tpu.memory_space<vmem>>) semaphore(%arg18 : memref<!tpu.dma_semaphore, #tpu.memory_space<semaphore_mem>>)
      } else {
      }
      %add3A_179 = arith.constant 3 : i32
      %add3A_180 = arith.addi %add3A_37, %add3A_179 : i32
      %mul3A_181 = arith.constant 80 : i32
      %mul3A_182 = arith.muli %add3A_180, %mul3A_181 : i32
      %add3A_183 = arith.addi %mul3A_2, %mul3A_182 : i32
      %dma_wait3A_184 = arith.constant 0 : i32
      %dma_wait3A_185 = tpu.memref_slice %arg4[%add3A_183, %dma_wait3A_184] : memref<819200x128xf32, #tpu.memory_space<hbm>> -> memref<80x128xf32, #tpu.memory_space<hbm>>
      %dma_wait3A_186 = arith.constant 0 : i32
      %dma_wait3A_187 = tpu.memref_slice %arg4[%add3A_183, %dma_wait3A_186] : memref<819200x128xf32, #tpu.memory_space<hbm>> -> memref<80x128xf32, #tpu.memory_space<hbm>>
      tpu.wait_dma2 semaphore(%arg24 : memref<!tpu.dma_semaphore, #tpu.memory_space<semaphore_mem>>) src(%arg14 : memref<80x128xf32, #tpu.memory_space<vmem>>) dst(%dma_wait3A_187 : memref<80x128xf32, #tpu.memory_space<hbm>>)
      %add3A_188 = arith.constant 5 : i32
      %add3A_189 = arith.addi %add3A_180, %add3A_188 : i32
      %lt3A_190 = arith.constant 320 : i32
      %lt3A_191 = arith.cmpi slt, %add3A_189, %lt3A_190 : i32
      %convert_element_type3A_192 = arith.extui %lt3A_191 : i1 to i32
      %cond3A_193 = arith.constant 0 : i32
      %cond3A_194 = arith.cmpi ne, %convert_element_type3A_192, %cond3A_193 : i32
      scf.if %cond3A_194 {
        %add3A_211 = arith.constant 5 : i32
        %add3A_212 = arith.addi %add3A_180, %add3A_211 : i32
        %dma_start3A_213 = arith.constant 0 : i32
        %dma_start3A_214 = arith.constant 0 : i32
        %dma_start3A_215 = tpu.memref_slice %arg5[%dma_start3A_213, %dma_start3A_214] : memref<9600x128xf32, #tpu.memory_space<vmem_shared>> -> memref<9600x128xf32, #tpu.memory_space<vmem_shared>>
        tpu.enqueue_indirect_dma source(%dma_start3A_215 : memref<9600x128xf32, #tpu.memory_space<vmem_shared>>) target(%arg14 : memref<80x128xf32, #tpu.memory_space<vmem>>) offsets(%arg9 : memref<80xi32, #tpu.memory_space<vmem>>) semaphore(%arg19 : memref<!tpu.dma_semaphore, #tpu.memory_space<semaphore_mem>>)
      } else {
      }
      %add3A_195 = arith.constant 4 : i32
      %add3A_196 = arith.addi %add3A_37, %add3A_195 : i32
      %mul3A_197 = arith.constant 80 : i32
      %mul3A_198 = arith.muli %add3A_196, %mul3A_197 : i32
      %add3A_199 = arith.addi %mul3A_2, %mul3A_198 : i32
      %dma_wait3A_200 = arith.constant 0 : i32
      %dma_wait3A_201 = tpu.memref_slice %arg4[%add3A_199, %dma_wait3A_200] : memref<819200x128xf32, #tpu.memory_space<hbm>> -> memref<80x128xf32, #tpu.memory_space<hbm>>
      %dma_wait3A_202 = arith.constant 0 : i32
      %dma_wait3A_203 = tpu.memref_slice %arg4[%add3A_199, %dma_wait3A_202] : memref<819200x128xf32, #tpu.memory_space<hbm>> -> memref<80x128xf32, #tpu.memory_space<hbm>>
      tpu.wait_dma2 semaphore(%arg25 : memref<!tpu.dma_semaphore, #tpu.memory_space<semaphore_mem>>) src(%arg15 : memref<80x128xf32, #tpu.memory_space<vmem>>) dst(%dma_wait3A_203 : memref<80x128xf32, #tpu.memory_space<hbm>>)
      %add3A_204 = arith.constant 5 : i32
      %add3A_205 = arith.addi %add3A_196, %add3A_204 : i32
      %lt3A_206 = arith.constant 320 : i32
      %lt3A_207 = arith.cmpi slt, %add3A_205, %lt3A_206 : i32
      %convert_element_type3A_208 = arith.extui %lt3A_207 : i1 to i32
      %cond3A_209 = arith.constant 0 : i32
      %cond3A_210 = arith.cmpi ne, %convert_element_type3A_208, %cond3A_209 : i32
      scf.if %cond3A_210 {
        %add3A_211 = arith.constant 5 : i32
        %add3A_212 = arith.addi %add3A_196, %add3A_211 : i32
        %dma_start3A_213 = arith.constant 0 : i32
        %dma_start3A_214 = arith.constant 0 : i32
        %dma_start3A_215 = tpu.memref_slice %arg5[%dma_start3A_213, %dma_start3A_214] : memref<9600x128xf32, #tpu.memory_space<vmem_shared>> -> memref<9600x128xf32, #tpu.memory_space<vmem_shared>>
        tpu.enqueue_indirect_dma source(%dma_start3A_215 : memref<9600x128xf32, #tpu.memory_space<vmem_shared>>) target(%arg15 : memref<80x128xf32, #tpu.memory_space<vmem>>) offsets(%arg10 : memref<80xi32, #tpu.memory_space<vmem>>) semaphore(%arg20 : memref<!tpu.dma_semaphore, #tpu.memory_space<semaphore_mem>>)
      } else {
      }
    }
    %scan3A_32 = arith.constant 64 : i32
    return
  }
}

module attributes {stable_mosaic.version = 14 : i64} {
  func.func @_fused_table_body(%arg0: i32, %arg1: memref<44x128xf32, #tpu.memory_space<vmem>>, %arg2: memref<40x48x128xf32, #tpu.memory_space<vmem>>) attributes {dimension_semantics = [#tpu.dimension_semantics<arbitrary>], iteration_bounds = array<i64: 5>, scalar_prefetch = 0 : i64, scratch_operands = 0 : i64, tpu.core_type = #tpu.core_type<tc>, window_params = [{pipeline_mode = #tpu.pipeline_mode<synchronous>, transform_indices = @transform_0, window_bounds = array<i64: 44, 128>}, {transform_indices = @transform_1, window_bounds = array<i64: 40, 48, 128>}]} {
    %iota3A = tpu.iota {dimensions = array<i32: 2>} : vector<40x1x128xi32>
    %iota3A_0 = tpu.iota {dimensions = array<i32: 0>} : vector<40x1x128xi32>
    %mul3A = arith.constant 40 : i32
    %mul3A_1 = arith.muli %arg0, %mul3A : i32
    %add3A = vector.broadcast %mul3A_1 : i32 to vector<40x1x128xi32>
    %add3A_2 = arith.addi %iota3A_0, %add3A : vector<40x1x128xi32>
    %convert_element_type3A = arith.sitofp %add3A_2 : vector<40x1x128xi32> to vector<40x1x128xf32>
    %jit3A = arith.constant 2 : i32
    %div3A = vector.broadcast %jit3A : i32 to vector<40x1x128xi32>
    %div3A_3 = arith.divsi %iota3A, %div3A : vector<40x1x128xi32>
    %sign3A = arith.constant 0 : i32
    %sign3A_4 = vector.broadcast %sign3A : i32 to vector<40x1x128xi32>
    %sign3A_5 = arith.cmpi sgt, %iota3A, %sign3A_4 : vector<40x1x128xi32>
    %sign3A_6 = arith.extui %sign3A_5 : vector<40x1x128xi1> to vector<40x1x128xi32>
    %sign3A_7 = arith.constant 0 : i32
    %sign3A_8 = vector.broadcast %sign3A_7 : i32 to vector<40x1x128xi32>
    %sign3A_9 = arith.cmpi slt, %iota3A, %sign3A_8 : vector<40x1x128xi32>
    %sign3A_10 = arith.extui %sign3A_9 : vector<40x1x128xi1> to vector<40x1x128xi32>
    %sign3A_11 = arith.subi %sign3A_6, %sign3A_10 : vector<40x1x128xi32>
    %sign3A_12 = arith.constant 0 : i32
    %sign3A_13 = arith.cmpi sgt, %jit3A, %sign3A_12 : i32
    %sign3A_14 = arith.extui %sign3A_13 : i1 to i32
    %sign3A_15 = arith.constant 0 : i32
    %sign3A_16 = arith.cmpi slt, %jit3A, %sign3A_15 : i32
    %sign3A_17 = arith.extui %sign3A_16 : i1 to i32
    %sign3A_18 = arith.subi %sign3A_14, %sign3A_17 : i32
    %ne3A = vector.broadcast %sign3A_18 : i32 to vector<40x1x128xi32>
    %ne3A_19 = arith.cmpi ne, %sign3A_11, %ne3A : vector<40x1x128xi32>
    %rem3A = vector.broadcast %jit3A : i32 to vector<40x1x128xi32>
    %rem3A_20 = arith.remsi %iota3A, %rem3A : vector<40x1x128xi32>
    %ne3A_21 = arith.constant 0 : i32
    %ne3A_22 = vector.broadcast %ne3A_21 : i32 to vector<40x1x128xi32>
    %ne3A_23 = arith.cmpi ne, %rem3A_20, %ne3A_22 : vector<40x1x128xi32>
    %and3A = arith.andi %ne3A_19, %ne3A_23 : vector<40x1x128xi1>
    %sub3A = arith.constant 1 : i32
    %sub3A_24 = vector.broadcast %sub3A : i32 to vector<40x1x128xi32>
    %sub3A_25 = arith.subi %div3A_3, %sub3A_24 : vector<40x1x128xi32>
    %select_n3A = arith.select %and3A, %sub3A_25, %div3A_3 : vector<40x1x128xi1>, vector<40x1x128xi32>
    %convert_element_type3A_26 = arith.sitofp %select_n3A : vector<40x1x128xi32> to vector<40x1x128xf32>
    %mul3A_27 = arith.constant 1.562500e-02 : f32
    %mul3A_28 = vector.broadcast %mul3A_27 : f32 to vector<40x1x128xf32>
    %mul3A_29 = arith.mulf %convert_element_type3A_26, %mul3A_28 : vector<40x1x128xf32>
    %log3A = arith.constant 1.000000e+04 : f32
    %log3A_30 = math.log %log3A : f32
    %mul3A_31 = vector.broadcast %log3A_30 : f32 to vector<40x1x128xf32>
    %mul3A_32 = arith.mulf %mul3A_29, %mul3A_31 : vector<40x1x128xf32>
    %exp3A = math.exp %mul3A_32 : vector<40x1x128xf32>
    %div3A_33 = arith.divf %convert_element_type3A, %exp3A : vector<40x1x128xf32>
    %jit3A_34 = arith.constant 2 : i32
    %eq3A = arith.constant 0 : i32
    %eq3A_35 = arith.cmpi eq, %jit3A_34, %eq3A : i32
    %jit3A_36 = arith.constant 1 : i32
    %select_n3A_37 = arith.select %eq3A_35, %jit3A_36, %jit3A_34 : i32
    %rem3A_38 = vector.broadcast %select_n3A_37 : i32 to vector<40x1x128xi32>
    %rem3A_39 = arith.remsi %iota3A, %rem3A_38 : vector<40x1x128xi32>
    %ne3A_40 = arith.constant 0 : i32
    %ne3A_41 = vector.broadcast %ne3A_40 : i32 to vector<40x1x128xi32>
    %ne3A_42 = arith.cmpi ne, %rem3A_39, %ne3A_41 : vector<40x1x128xi32>
    %lt3A = arith.constant 0 : i32
    %lt3A_43 = vector.broadcast %lt3A : i32 to vector<40x1x128xi32>
    %lt3A_44 = arith.cmpi slt, %rem3A_39, %lt3A_43 : vector<40x1x128xi32>
    %lt3A_45 = arith.constant 0 : i32
    %lt3A_46 = arith.cmpi slt, %select_n3A_37, %lt3A_45 : i32
    %ne3A_47 = vector.broadcast %lt3A_46 : i1 to vector<40x1x128xi1>
    %ne3A_48 = vector.broadcast %ne3A_47 : vector<40x1x128xi1> to vector<40x1x128xi1>
    %ne3A_49 = arith.xori %lt3A_44, %ne3A_48 : vector<40x1x128xi1>
    %and3A_50 = arith.andi %ne3A_49, %ne3A_42 : vector<40x1x128xi1>
    %add3A_51 = vector.broadcast %select_n3A_37 : i32 to vector<40x1x128xi32>
    %add3A_52 = arith.addi %rem3A_39, %add3A_51 : vector<40x1x128xi32>
    %select_n3A_53 = arith.select %and3A_50, %add3A_52, %rem3A_39 : vector<40x1x128xi1>, vector<40x1x128xi32>
    %eq3A_54 = arith.constant 0 : i32
    %eq3A_55 = vector.broadcast %eq3A_54 : i32 to vector<40x1x128xi32>
    %eq3A_56 = arith.cmpi eq, %select_n3A_53, %eq3A_55 : vector<40x1x128xi32>
    %sin3A = math.sin %div3A_33 : vector<40x1x128xf32>
    %cos3A = math.cos %div3A_33 : vector<40x1x128xf32>
    %select_n3A_57 = arith.select %eq3A_56, %sin3A, %cos3A : vector<40x1x128xi1>, vector<40x1x128xf32>
    %get3A = arith.constant 0 : index
    %get3A_58 = arith.constant 0 : index
    %get3A_59 = vector.load %arg1[%get3A, %get3A_58] : memref<44x128xf32, #tpu.memory_space<vmem>>, vector<44x128xf32>
    %broadcast_in_dim3A = arith.constant 0.000000e+00 : f32
    %broadcast_in_dim3A_60 = vector.broadcast %broadcast_in_dim3A : f32 to vector<4x128xf32>
    %concatenate3A = tpu.concatenate %get3A_59, %broadcast_in_dim3A_60 in 0 : vector<44x128xf32>, vector<4x128xf32> -> vector<48x128xf32>
    %broadcast_in_dim3A_61 = vector.shape_cast %concatenate3A : vector<48x128xf32> to vector<1x48x128xf32>
    %add3A_62 = vector.broadcast %broadcast_in_dim3A_61 : vector<1x48x128xf32> to vector<40x48x128xf32>
    %add3A_63 = vector.broadcast %select_n3A_57 : vector<40x1x128xf32> to vector<40x48x128xf32>
    %add3A_64 = arith.addf %add3A_62, %add3A_63 : vector<40x48x128xf32>
    %swap3A = arith.constant 0 : index
    %swap3A_65 = arith.constant 0 : index
    %swap3A_66 = arith.constant 0 : index
    %swap3A_67 = vector.load %arg2[%swap3A, %swap3A_65, %swap3A_66] : memref<40x48x128xf32, #tpu.memory_space<vmem>>, vector<40x48x128xf32>
    tpu.vector_store %arg2[%swap3A, %swap3A_65, %swap3A_66], %add3A_64 {strides = array<i32>} : memref<40x48x128xf32, #tpu.memory_space<vmem>>, vector<40x48x128xf32>,
    return
  }
  func.func @transform_0(%arg0: i32) -> (i32, i32) {
    %c0_i32 = arith.constant 0 : i32
    %c0_i32_0 = arith.constant 0 : i32
    %c0_i32_1 = arith.constant 0 : i32
    return %c0_i32, %c0_i32_0 : i32, i32
  }
  func.func @transform_1(%arg0: i32) -> (i32, i32, i32) {
    %c0_i32 = arith.constant 0 : i32
    %c0_i32_0 = arith.constant 0 : i32
    %c0_i32_1 = arith.constant 0 : i32
    return %arg0, %c0_i32, %c0_i32_0 : i32, i32, i32
  }
}

module attributes {stable_mosaic.version = 14 : i64} {
  func.func @_flat_idx_body(%arg0: i32, %arg1: memref<512x200xi32, #tpu.memory_space<vmem>>, %arg2: memref<512x200xi32, #tpu.memory_space<vmem>>) attributes {dimension_semantics = [#tpu.dimension_semantics<arbitrary>], iteration_bounds = array<i64: 8>, scalar_prefetch = 0 : i64, scratch_operands = 0 : i64, tpu.core_type = #tpu.core_type<tc>, window_params = [{transform_indices = @transform_0, window_bounds = array<i64: 512, 200>}, {transform_indices = @transform_1, window_bounds = array<i64: 512, 200>}]} {
    %iota3A = tpu.iota {dimensions = array<i32: 1>} : vector<512x200xi32>
    %get3A = arith.constant 0 : index
    %get3A_0 = arith.constant 0 : index
    %get3A_1 = vector.load %arg1[%get3A, %get3A_0] : memref<512x200xi32, #tpu.memory_space<vmem>>, vector<512x200xi32>
    %mul3A = arith.constant 48 : i32
    %mul3A_2 = vector.broadcast %mul3A : i32 to vector<512x200xi32>
    %mul3A_3 = arith.muli %mul3A_2, %iota3A : vector<512x200xi32>
    %add3A = arith.addi %get3A_1, %mul3A_3 : vector<512x200xi32>
    %swap3A = arith.constant 0 : index
    %swap3A_4 = arith.constant 0 : index
    %swap3A_5 = vector.load %arg2[%swap3A, %swap3A_4] : memref<512x200xi32, #tpu.memory_space<vmem>>, vector<512x200xi32>
    tpu.vector_store %arg2[%swap3A, %swap3A_4], %add3A {strides = array<i32>} : memref<512x200xi32, #tpu.memory_space<vmem>>, vector<512x200xi32>,
    return
  }
  func.func @transform_0(%arg0: i32) -> (i32, i32) {
    %c0_i32 = arith.constant 0 : i32
    %c0_i32_0 = arith.constant 0 : i32
    return %arg0, %c0_i32 : i32, i32
  }
  func.func @transform_1(%arg0: i32) -> (i32, i32) {
    %c0_i32 = arith.constant 0 : i32
    %c0_i32_0 = arith.constant 0 : i32
    return %arg0, %c0_i32 : i32, i32
  }
}

</mosaic_0001>

<sc_bundles>
// kernel: kernel.5.cloned.1.call-start
scs
__scs_entry_jumppad:
0x0: {  	(pc) =	sbr.rel $0x88, $3  }
0x1: {  	(tag) =	ssettag $0x0;
	lr =	simm.s32 $0x1  }
0x2: {  	[smem:$0x3F9F] =	sst lr;
	_ =	strace $0xD0000000  }
0x3: {  	_ = 	snop  }
0x4: {  	_ = 	snop  }
0x5: {  	_ = 	snop  }
0x6: {  	_ = 	snop  }
0x7: {  	_ = 	snop  }
__scs_overlays_trampoline_lowered:
0x8: {  	[smem:$0x3FAE] =	sst s0  }
0x9: {  	[smem:$0x3FAF] =	sst s1  }
0xa: {  	[smem:$0x3FB0] =	sst s2  }
0xb: {  	[smem:$0x3FB1] =	sst s3  }
0xc: {  	[smem:$0x3FB2] =	sst s4  }
0xd: {  	[smem:$0x3FB3] =	sst s5  }
0xe: {  	[smem:$0x3FB4] =	sst s6  }
0xf: {  	[smem:$0x3FB5] =	sst s7  }
0x10: {  	[smem:$0x3FB6] =	sst s8  }
0x11: {  	[smem:$0x3FB7] =	sst s9;
	s0 =	simm.s32 @!p0 $0x0  }
0x12: {  	s1 =	sld [smem:$0x3F9D];
	s0 =	simm.s32 @p0 $0x1  }
0x13: {  	[smem:$0x3FB8] =	sst s0;
	s0 =	simm.s32 @!p1 $0x0  }
0x14: {  	s2 =	sld [smem:$0x3F9C];
	s0 =	simm.s32 @p1 $0x1  }
0x15: {  	[smem:$0x3FB9] =	sst s0;
	s0 =	simm.s32 @!p2 $0x0  }
0x16: {  	s3 =	sld [smem:$0x3FDB];
	s0 =	simm.s32 @p2 $0x1  }
0x17: {  	s4 =	simm.s32 $0x1BF5;
	[smem:$0x3FBB] =	sst s0  }
0x18: {  	s0 =	sld [smem:$0x3F9E];
	_ =	swait.ge [sflag:s4], $0x0  }
0x19: {  	s7 =	sld [smem:$0x3F9F]  }
0x1a: {  	s8 =	sadd.s32 $0xFFFFE003, lr  }
0x1b: {  	s9 =	sadd.s32 $0xFFFFFEF7, lr;
	s5 =	simm.s32 $0xFFFFFFFF;
	p2 =	slt.u32 s8, $0xFFFFF086  }
0x1c: {  	p1 =	slt.u32 s9, $0xF7A;
	s5 =	simm.s32 @!p2 $0x0  }
0x1d: {  	s5 =	simm.s32 @p1 $0x1;
	p0 =	seq.s32 s7, s2  }
0x1e: {  	s7 =	smul.u32 @!p0 $0xF7A, s2;
	p2 =	seq.s32 @!p0 s5, $0x0  }
0x1f: {  	s9 =	smul.u32 $0xF7A, s1;
	s8 =	simm.s32 @!p0 $0x1BF5;
	p2 =	por !p2, p0  }
0x20: {  	[sflag:s8] =	ssyncset.s32 @!p0 $0xFFFFF086;
	s6 =	sadd.s32 @!p0 s3, s7;
	s7 =	simm.s32 @!p0 $0x108  }
0x21: {  	s3 =	sadd.s32 s3, s9;
	s6 =	sadd.s32 @!p0 $0x88, s6;
	s7 =	simm.s32 @p2 $0x1082  }
0x22: {  	[simem:s7], [sflag:s8] =	dma.local @!p0 [hbm:s6], $0xF7A  }
0x23: {  	s9 =	sor.u32 $0xD0000000, s2;
	s6 =	simm.s32 $0x108;
	_ =	swait.ge @!p0 [sflag:s8], $0x0  }
0x24: {  	s3 =	sadd.s32 $0x88, s3;
	s6 =	simm.s32 @!p1 $0x1082;
	[sflag:s4] =	ssyncset.s32 $0xFFFFF086  }
0x25: {  	[simem:s6], [sflag:s4] =	dma.local [hbm:s3], $0xF7A  }
0x26: {  	[smem:$0x3F9F] =	sst s1;
	(tag) =	ssettag s2;
	_ =	strace s9  }
0x27: {  	s1 =	sld [smem:$0x3FAF]  }
0x28: {  	s2 =	sld [smem:$0x3FB0]  }
0x29: {  	s4 =	sld [smem:$0x3FB2]  }
0x2a: {  	p0 =	seq.s32 s5, $0x0;
	s5 =	sld [smem:$0x3FB3]  }
0x2b: {  	s6 =	sld [smem:$0x3FB4]  }
0x2c: {  	s7 =	sld [smem:$0x3FB5]  }
0x2d: {  	s3 =	simm.s32 $0x108;
	s8 =	sld [smem:$0x3FB6]  }
0x2e: {  	s3 =	simm.s32 @!p0 $0x1082;
	s9 =	sld [smem:$0x3FB7]  }
0x2f: {  	lr =	sadd.s32 s0, s3;
	s0 =	sld [smem:$0x3FAE]  }
0x30: {  	s3 =	sld [smem:$0x3FB1]  }
0x31: {  	[smem:$0x3FBA] =	sst s10  }
0x32: {  	s10 =	sld [smem:$0x3FB8];
	_ =	sdelay $0x3  }
0x33: {  	p0 =	seq.s32 s10, $0x1;
	s10 =	sld [smem:$0x3FBA];
	_ =	sdelay $0x3  }
0x34: {  	[smem:$0x3FBA] =	sst s10  }
0x35: {  	s10 =	sld [smem:$0x3FB9];
	_ =	sdelay $0x3  }
0x36: {  	p1 =	seq.s32 s10, $0x1;
	s10 =	sld [smem:$0x3FBA];
	_ =	sdelay $0x3  }
0x37: {  	[smem:$0x3FBA] =	sst s10  }
0x38: {  	s10 =	sld [smem:$0x3FBB]  }
0x39: {  	_ = 	snop;
	(pc) =	sbr.ind lr, $3  }
0x3a: {  	_ = 	snop  }
0x3b: {  	_ = 	snop  }
0x3c: {  	p2 =	seq.s32 s10, $0x1;
	s10 =	sld [smem:$0x3FBA]  }
0x3d: {  	_ =	shalt  }
0x3e: {  	_ =	shalt  }
0x3f: {  	_ =	shalt  }
0x40: {  	_ =	shalt  }
0x41: {  	_ =	shalt  }
0x42: {  	_ =	shalt  }
0x43: {  	_ =	shalt  }
0x44: {  	_ =	shalt  }
0x45: {  	_ =	shalt  }
0x46: {  	_ =	shalt  }
0x47: {  	_ =	shalt  }
0x48: {  	_ =	shalt  }
0x49: {  	_ =	shalt  }
0x4a: {  	_ =	shalt  }
0x4b: {  	_ =	shalt  }
0x4c: {  	_ =	shalt  }
0x4d: {  	_ =	shalt  }
0x4e: {  	_ =	shalt  }
0x4f: {  	_ =	shalt  }
0x50: {  	_ =	shalt  }
0x51: {  	_ =	shalt  }
0x52: {  	_ =	shalt  }
0x53: {  	_ =	shalt  }
0x54: {  	_ =	shalt  }
0x55: {  	_ =	shalt  }
0x56: {  	_ =	shalt  }
0x57: {  	_ =	shalt  }
0x58: {  	_ =	shalt  }
0x59: {  	_ =	shalt  }
0x5a: {  	_ =	shalt  }
0x5b: {  	_ =	shalt  }
0x5c: {  	_ =	shalt  }
0x5d: {  	_ =	shalt  }
0x5e: {  	_ =	shalt  }
0x5f: {  	_ =	shalt  }
0x60: {  	_ =	shalt  }
0x61: {  	_ =	shalt  }
0x62: {  	_ =	shalt  }
0x63: {  	_ =	shalt  }
0x64: {  	_ =	shalt  }
0x65: {  	_ =	shalt  }
0x66: {  	_ =	shalt  }
0x67: {  	_ =	shalt  }
0x68: {  	_ =	shalt  }
0x69: {  	_ =	shalt  }
0x6a: {  	_ =	shalt  }
0x6b: {  	_ =	shalt  }
0x6c: {  	_ =	shalt  }
0x6d: {  	_ =	shalt  }
0x6e: {  	_ =	shalt  }
0x6f: {  	_ =	shalt  }
0x70: {  	_ =	shalt  }
0x71: {  	_ =	shalt  }
0x72: {  	_ =	shalt  }
0x73: {  	_ =	shalt  }
0x74: {  	_ =	shalt  }
0x75: {  	_ =	shalt  }
0x76: {  	_ =	shalt  }
0x77: {  	_ =	shalt  }
0x78: {  	_ =	shalt  }
0x79: {  	_ =	shalt  }
0x7a: {  	_ =	shalt  }
0x7b: {  	_ =	shalt  }
0x7c: {  	_ =	shalt  }
0x7d: {  	_ =	shalt  }
0x7e: {  	_ =	shalt  }
0x7f: {  	_ =	shalt  }
0x80: {  	_ =	shalt  }
0x81: {  	_ =	shalt  }
0x82: {  	_ =	shalt  }
0x83: {  	_ =	shalt  }
0x84: {  	_ =	shalt  }
0x85: {  	_ =	shalt  }
0x86: {  	_ =	shalt  }
0x87: {  	_ =	shalt  }
.Lfunc_end0:
.L_simem_size_0:
called_computation_lowered:
.L_overlay_start_0:
0x88: {  	s2 =	sld [smem:$0x3FD9]  }
0x89: {  	s3 =	sld [smem:$0x3FFE];
	_ =	sdelay $0x1  }
0x8a: {  	s1 =	srdreg.scid  }
0x8b: {  	s0 =	sand.u32 $0x1, s1  }
0x8c: {  	s17 =	sshll.u32 s0, $0xA;
	s2 =	sadd.s32 s3, s2  }
0x8d: {  	s2 =	sadd.s32 s2, s17  }
0x8e: {  	[smem:$0x3FC6] =	sst s2  }
0x8f: {  	_ = 	snop  }
0x90: {  	s2 =	sld [smem:$0x3FD0];
	(tm) =	ssettm $0x1  }
0x91: {  	s18 =	sld [smem:$0x3FFB];
	_ =	sdelay $0x3  }
0x92: {  	_ =	strace s18  }
0x93: {  	s3 =	sld [smem:$0x3FFC];
	_ =	sdelay $0x3  }
0x94: {  	_ =	strace s3  }
0x95: {  	s3 =	sld [smem:$0x3FFD];
	_ =	sdelay $0x3  }
0x96: {  	_ =	strace s3  }
0x97: {  	_ =	strace $0x8FFFFFFF  }
0x98: {  	s19 =	sld [smem:$0x3FDB];
	_ =	sdelay $0x1  }
0x99: {  	s4 =	simm.s32 $_scs_section_size  }
0x9a: {  	s5 =	simm.s32 $_size__tile_overlayer_lowered;
	s6 =	simm.s32 $_tile_overlayer_lowered  }
0x9b: {  	s22 =	simm.s32 $0x1BFF;
	s21 =	sshll.u32 s6, $0x1;
	s3 =	sadd.s32 s4, s19  }
0x9c: {  	s7 =	simm.s32 $0x0;
	s20 =	sshll.u32 s5, $0x1;
	s5 =	sadd.s32 s21, s3  }
0x9d: {  	[timem:s7], [sflag:s22] =	dma.local [hbm:s5], s20  }
0x9e: {  	_ =	swait.ge [sflag:s22], s20  }
0x9f: {  	s4 =	ssub.s32 $0x0, s20;
	[sflag:s22] =	ssyncset.done $0x0  }
0xa0: {  	[sflag:s22] =	ssyncadd.s32 s4;
	_ =	sdelay $0x1  }
0xa1: {  	s23 =	simm.s32 $0x1B8B  }
0xa2: {  	_ =	swait.ge [sflag:s23], $0x1  }
0xa3: {  	[sflag:s23] =	ssyncset.done $0x0  }
0xa4: {  	s25 =	simm.s32 $0x1B8E;
	s24 =	sld [smem:$0x3FFE];
	[sflag:s23] =	ssyncadd.s32 $0xFFFFFFFF  }
0xa5: {  	s26 =	simm.s32 $execute0_lowered;
	[smem:$0x3FD2] =	sst s25  }
0xa6: {  	s5 =	sshll.u32 s26, $0x1;
	_ =	strace $0x80000046;
	[dreg:$0x1] =	wrdreg $0xFFFFFFFF  }
0xa7: {  	s28 =	simm.s32 $_size_execute0_lowered;
	s3 =	sadd.s32 s3, s5;
	[dreg:$0x0] =	wrdreg $0x0  }
0xa8: {  	s5 =	sshll.u32 s28, $0x1;
	[dreg:$0x2] =	wrdreg s3  }
0xa9: {  	[dreg:$0x3] =	wrdreg s5  }
0xaa: {  	[dreg:$0x4] =	wrdreg $0xC0  }
0xab: {  	_ =	task [dreg:s7], $0x5FFFF  }
0xac: {  	[dreg:$0x1] =	wrdreg $0xFFFFFFFF  }
0xad: {  	[dreg:$0x0] =	wrdreg $0x60  }
0xae: {  	[dreg:$0x2] =	wrdreg s24  }
0xaf: {  	[dreg:$0x3] =	wrdreg s2  }
0xb0: {  	[dreg:$0x4] =	wrdreg $0x0  }
0xb1: {  	[dreg:$0x5] =	wrdreg $0x9  }
0xb2: {  	_ =	task.clear_ibuf [dreg:s7], $0x6FFFF;
	_ =	strace $0x90000046  }
0xb3: {  	s29 =	simm.s32 $0x9;
	_ =	strace $0x80000048  }
0xb4: {  	_ =	swait.ge [sflag:s29], $0x1  }
0xb5: {  	[sflag:s29] =	ssyncadd.s32 $0xFFFFFFFF  }
0xb6: {  	_ =	strace $0x90000048  }
0xb7: {  	_ =	sfence  }
0xb8: {  	s30 =	sld [smem:$0x0];
	_ =	sdelay $0x2  }
0xb9: {  	s31 =	sshll.u32 s1, $0xD;
	s1 =	sshrl.u32 s1, $0x2  }
0xba: {  	s3 =	sand.u32 $0x4000, s31;
	s1 =	sadd.s32 s1, s30  }
0xbb: {  	s0 =	sor.u32 s3, s0;
	s1 =	sshll.u32 s1, $0x11  }
0xbc: {  	s0 =	sor.u32 s1, s0  }
0xbd: {  	s0 =	sadd.s32 $0x8F2B, s0  }
0xbe: {  	[sflag:s0] =	ssyncadd.remote.s32 $0x1  }
0xbf: {  	_ =	sfence.sel $0xFFFF  }
0xc0: {  	[dreg:$0x0] =	wrdreg $0xFFFFFFFF;
	(pc) =	sbr.abs _section_cstart, $3  }
0xc1: {  	[dreg:$0x1] =	wrdreg $0xFFFFFFFF  }
0xc2: {  	_ =	task.clear_ibuf [dreg:s7], $0x2FFFF;
	_ =	strace $0x9FFFFFFF  }
0xc3: {  	(tm) =	ssettm $0x7FFFFFFF  }
tec
execute0_lowered:
.L_overlay_start_1:
0x0: {  	(tag) =	ssettag $0x1  }
0x1: {  	s0 =	rddreg [dreg:$0x0]  }
0x2: {  	s3 =	rddreg [dreg:$0x1]  }
0x3: {  	s2 =	srdreg.scid;
	s4 =	stileid.u32  }
0x4: {  	s1 =	rddreg [dreg:$0x2];
	s30 =	simm.s32 $0x12E00;
	s31 =	simm.s32 $0x1CE80  }
0x5: {  	s13 =	simm.s32 $0xA;
	s28 =	simm.s32 $0x12D80;
	s5 =	sand.u32 $0x1, s2  }
0x6: {  	s6 =	sshll.u32 s4, $0x1;
	s2 =	simm.s32 $0x0;
	s15 =	smul.u32 $0xC800, s4  }
0x7: {  	s8 =	sadd.s32 $0x19800, s0;
	s0 =	sadd.s32 $0x800, s0;
	s20 =	smul.u32 $0xC8000, s4  }
0x8: {  	p0 =	sne.s32 s4, $0x0;
	s6 =	sor.u32 s5, s6;
	s17 =	smul.u32 $0x6400, s5  }
0x9: {  	[smem:$0x7FF] =	sst s2;
	s14 =	ssub.s32 $0x2, s5;
	s5 =	smul.u32 $0x64000, s5  }
0xa: {  	s7 =	smul.u32 $0x6400, s6;
	_ =	strace $0x80000047;
	s9 =	sshrl.u32 s14, $0x1  }
0xb: {  	[dreg:$0x4] =	wrdreg s8;
	s6 =	smul.u32 $0x64000, s6;
	s8 =	ssub.s32 s14, s9  }
0xc: {  	s9 =	simm.s32 $0x9;
	s7 =	sshrl.u32 s7, $0x3;
	s8 =	smax.u32 s8, $0x1  }
0xd: {  	s6 =	sadd.s32 s3, s6;
	s3 =	sadd.s32 s20, s3;
	s20 =	simm.s32 $0xB  }
0xe: {  	s10 =	sadd.s32 s0, s7;
	[dreg:$0xa] =	wrdreg s8;
	s7 =	sadd.s32 s17, s15  }
0xf: {  	s3 =	sadd.s32 s5, s3;
	s8 =	simm.s32 $0x8;
	s16 =	sadd.s32 $0xA, s10  }
0x10: {  	s11 =	sadd.s32 $0x14, s10;
	s18 =	sadd.s32 $0x1E, s10;
	[dreg:$0x5] =	wrdreg s10  }
0x11: {  	s10 =	sadd.s32 $0x28, s10;
	s19 =	sor.u32 $0x2D0, s7;
	[dreg:$0x6] =	wrdreg s16  }
0x12: {  	s22 =	sor.u32 $0x280, s7;
	s24 =	sor.u32 $0x230, s7;
	[dreg:$0x7] =	wrdreg s11  }
0x13: {  	s3 =	sadd.s32 $0x1400, s3;
	s26 =	sor.u32 $0x1E0, s7;
	[dreg:$0x8] =	wrdreg s18  }
0x14: {  	s29 =	sor.u32 $0x190, s7;
	s7 =	simm.s32 $0x7;
	[dreg:$0x9] =	wrdreg s10  }
0x15: {  	s10 =	sadd.s32 $0x62C00, s6;
	s11 =	sadd.s32 $0x63600, s6;
	s21 =	sshrl.u32 s19, $0x3  }
0x16: {  	s23 =	sshrl.u32 s22, $0x3;
	[dreg:$0xb] =	wrdreg s3;
	s25 =	sshrl.u32 s24, $0x3  }
0x17: {  	s3 =	sshrl.u32 s26, $0x3;
	s5 =	sshrl.u32 s29, $0x3;
	s22 =	simm.s32 $0x12E80  }
.Ltmp0:
0x18: {  	s26 =	simm.s32 $0x17E80;
	s6 =	simm.s32 $0x6;
	(pc) =	sbr.rel .LBB2_1-.Ltmp0, $4  }
0x19: {  	s18 =	simm.s32 $0x0;
	s12 =	sadd.s32 s21, s0;
	s14 =	sadd.s32 s23, s0  }
0x1a: {  	s15 =	sadd.s32 s25, s0;
	s16 =	sadd.s32 s3, s0;
	s17 =	sadd.s32 s5, s0  }
0x1b: {  	s0 =	sshrl.u32 @!p0 s1, $0x3;
	s21 =	simm.s32 $0x50;
	s3 =	simm.s32 $0x3  }
0x1c: {  	s5 =	simm.s32 $0x5;
	[dreg:$0xc] =	wrdreg s0;
	s0 =	simm.s32 $0x1  }
.LBB2_4:
0x1d: {  	_ =	swait.ge [sflag:s6], $0x2800  }
0x1e: {  	[sflag:s6] =	ssyncset.done $0x0  }
0x1f: {  	[sflag:s6] =	ssyncadd.s32 $0xFFFFD800  }
0x20: {  	_ =	swait.ge [sflag:s7], $0x2800  }
0x21: {  	[sflag:s7] =	ssyncset.done $0x0  }
0x22: {  	[sflag:s7] =	ssyncadd.s32 $0xFFFFD800  }
0x23: {  	_ =	swait.ge [sflag:s8], $0x2800  }
0x24: {  	[sflag:s8] =	ssyncset.done $0x0  }
0x25: {  	[sflag:s8] =	ssyncadd.s32 $0xFFFFD800  }
0x26: {  	_ =	swait.ge [sflag:s9], $0x2800  }
0x27: {  	[sflag:s9] =	ssyncset.done $0x0  }
0x28: {  	[sflag:s9] =	ssyncadd.s32 $0xFFFFD800  }
0x29: {  	_ =	swait.ge [sflag:s13], $0x2800  }
0x2a: {  	s18 =	rddreg [dreg:$0xd]  }
0x2b: {  	s4 =	rddreg [dreg:$0xa];
	s18 =	sadd.s32 $0x1, s18  }
0x2c: {  	p1 =	sne.s32 s18, s4  }
.Ltmp1:
0x2d: {  	_ = 	snop;
	(pc) =	sbr.rel @!p1 .LBB2_5-.Ltmp1, $3  }
0x2e: {  	_ =	sdelay $0x1  }
0x2f: {  	[sflag:s13] =	ssyncset.done $0x0  }
0x30: {  	[sflag:s13] =	ssyncadd.s32 $0xFFFFD800  }
.LBB2_1:
0x31: {  	[dreg:$0xd] =	wrdreg s18  }
0x32: {  	s18 =	rddreg [dreg:$0x4]  }
0x33: {  	s4 =	simm.s32 @!p0 $0x1C0B;
	s19 =	rddreg [dreg:$0xc]  }
0x34: {  	[spmem:s19], [sflag:s4] =	dma.local @!p0 [hbm:s18], $0x25800  }
0x35: {  	s4 =	simm.s32 @!p0 $0xB  }
0x36: {  	_ =	swait.ge @!p0 [sflag:s4], $0x25800  }
0x37: {  	[sflag:s4] =	ssyncset.done @!p0 $0x0  }
0x38: {  	[sflag:s4] =	ssyncadd.s32 @!p0 $0xFFFDA800  }
0x39: {  	[bflag:$0x0] =	sbarrier.arrive $0xFFFF  }
0x3a: {  	s23 =	simm.s32 $0x12C00;
	s19 =	rddreg [dreg:$0x5]  }
0x3b: {  	[tilespmem:s23], [sflag:$0xB] =	stream.linear.gather [hbm4b:s19+s2], $0x50, $0x38;
	[tilespmem:$0x1F680] =	vst v63  }
0x3c: {  	_ =	swait.ge [sflag:s20], $0x50  }
0x3d: {  	[sflag:s20] =	ssyncset.done $0x0  }
0x3e: {  	[sflag:s20] =	ssyncadd.s32 $0xFFFFFFB0  }
0x3f: {  	[tilespmem:s22], [sflag:$0x1] =	stream.indirect.gather [spmem:s1], $0x80, s23, s21, $0xb8;
	[tilespmem:$0x1F680] =	vst v63  }
0x40: {  	s25 =	simm.s32 $0x12C80;
	s24 =	rddreg [dreg:$0x6]  }
0x41: {  	[tilespmem:s25], [sflag:$0xB] =	stream.linear.gather [hbm4b:s24+s2], $0x50, $0x38;
	[tilespmem:$0x1F680] =	vst v63  }
0x42: {  	_ =	swait.ge [sflag:s20], $0x50  }
0x43: {  	[sflag:s20] =	ssyncset.done $0x0  }
0x44: {  	s29 =	simm.s32 $0x15680;
	[sflag:s20] =	ssyncadd.s32 $0xFFFFFFB0  }
0x45: {  	[tilespmem:s29], [sflag:$0x2] =	stream.indirect.gather [spmem:s1], $0x80, s25, s21, $0xb8;
	[tilespmem:$0x1F680] =	vst v63  }
0x46: {  	s19 =	simm.s32 $0x12D00;
	s18 =	rddreg [dreg:$0x7]  }
0x47: {  	[tilespmem:s19], [sflag:$0xB] =	stream.linear.gather [hbm4b:s18+s2], $0x50, $0x38;
	[tilespmem:$0x1F680] =	vst v63  }
0x48: {  	_ =	swait.ge [sflag:s20], $0x50  }
0x49: {  	[sflag:s20] =	ssyncset.done $0x0  }
0x4a: {  	[sflag:s20] =	ssyncadd.s32 $0xFFFFFFB0  }
0x4b: {  	[tilespmem:s26], [sflag:$0x3] =	stream.indirect.gather [spmem:s1], $0x80, s19, s21, $0xb8;
	[tilespmem:$0x1F680] =	vst v63  }
0x4c: {  	s24 =	simm.s32 $0x12D80;
	s23 =	rddreg [dreg:$0x8]  }
0x4d: {  	[tilespmem:s24], [sflag:$0xB] =	stream.linear.gather [hbm4b:s23+s2], $0x50, $0x38;
	[tilespmem:$0x1F680] =	vst v63  }
0x4e: {  	_ =	swait.ge [sflag:s20], $0x50  }
0x4f: {  	[sflag:s20] =	ssyncset.done $0x0  }
0x50: {  	s25 =	simm.s32 $0x1A680;
	[sflag:s20] =	ssyncadd.s32 $0xFFFFFFB0  }
0x51: {  	[tilespmem:s25], [sflag:$0x4] =	stream.indirect.gather [spmem:s1], $0x80, s24, s21, $0xb8;
	[tilespmem:$0x1F680] =	vst v63  }
0x52: {  	s29 =	rddreg [dreg:$0x9]  }
0x53: {  	[tilespmem:s30], [sflag:$0xB] =	stream.linear.gather [hbm4b:s29+s2], $0x50, $0x38;
	[tilespmem:$0x1F680] =	vst v63  }
0x54: {  	_ =	swait.ge [sflag:s20], $0x50  }
0x55: {  	[sflag:s20] =	ssyncset.done $0x0  }
0x56: {  	s4 =	simm.s32 $0x0;
	s18 =	rddreg [dreg:$0xb];
	[sflag:s20] =	ssyncadd.s32 $0xFFFFFFB0  }
0x57: {  	[tilespmem:s31], [sflag:$0x5] =	stream.indirect.gather [spmem:s1], $0x80, s30, s21, $0xb8;
	[tilespmem:$0x1F680] =	vst v63  }
.LBB2_2:
0x58: {  	_ =	swait.ge [sflag:s0], $0x2800  }
0x59: {  	[sflag:s0] =	ssyncset.done $0x0  }
0x5a: {  	s24 =	sadd.s32 $0xFFFFEC00, s18;
	p1 =	seq.s32 s4, $0xC4E;
	[sflag:s0] =	ssyncadd.s32 $0xFFFFD800  }
0x5b: {  	[hbm4b:s24+s2] =	stream.linear.scatter [tilespmem:s22], [sflag:$0x6], $0x2800, $0x38;
	[tilespmem:$0x1F680] =	vst v63  }
0x5c: {  	s24 =	simm.s32 @p1 $0x2  }
0x5d: {  	_ =	swait.ge @p1 [sflag:s24], $0x2800  }
0x5e: {  	[sflag:s24] =	ssyncset.done @p1 $0x0  }
0x5f: {  	s19 =	simm.s32 @p1 $0x15680;
	[sflag:s24] =	ssyncadd.s32 @p1 $0xFFFFD800;
	s24 =	simm.s32 @p1 $0x0  }
0x60: {  	[hbm4b:s10+s24] =	stream.linear.scatter @p1 [tilespmem:s19], [sflag:$0x7], $0x2800, $0x38;
	[tilespmem:$0x1F680] =	vst v63  }
0x61: {  	s29 =	simm.s32 @!p1 $0x0;
	s23 =	simm.s32 @!p1 $0x12C00;
	s19 =	sadd.s32 @!p1 s4, s17  }
0x62: {  	[tilespmem:s23], [sflag:$0xB] =	stream.linear.gather @!p1 [hbm4b:s19+s29], $0x50, $0x38;
	[tilespmem:$0x1F680] =	vst v63  }
0x63: {  	s19 =	simm.s32 @!p1 $0xB  }
0x64: {  	_ =	swait.ge @!p1 [sflag:s19], $0x50  }
0x65: {  	[sflag:s19] =	ssyncset.done @!p1 $0x0  }
0x66: {  	s23 =	simm.s32 @!p1 $0x2;
	[sflag:s19] =	ssyncadd.s32 @!p1 $0xFFFFFFB0  }
0x67: {  	_ =	swait.ge @!p1 [sflag:s23], $0x2800  }
0x68: {  	[sflag:s23] =	ssyncset.done @!p1 $0x0  }
0x69: {  	s25 =	simm.s32 @!p1 $0x15680;
	[sflag:s23] =	ssyncadd.s32 @!p1 $0xFFFFD800;
	s23 =	sadd.s32 @!p1 $0xFFFFF100, s18  }
0x6a: {  	[hbm4b:s23+s29] =	stream.linear.scatter @!p1 [tilespmem:s25], [sflag:$0x7], $0x2800, $0x38;
	[tilespmem:$0x1F680] =	vst v63  }
0x6b: {  	s23 =	sadd.s32 @!p1 s4, s16;
	s25 =	simm.s32 @!p1 $0x12C80  }
0x6c: {  	[tilespmem:s25], [sflag:$0xB] =	stream.linear.gather @!p1 [hbm4b:s23+s29], $0x50, $0x38;
	[tilespmem:$0x1F680] =	vst v63  }
0x6d: {  	_ =	swait.ge @!p1 [sflag:s19], $0x50  }
0x6e: {  	[sflag:s19] =	ssyncset.done @!p1 $0x0  }
0x6f: {  	[sflag:s19] =	ssyncadd.s32 @!p1 $0xFFFFFFB0  }
0x70: {  	_ =	swait.ge [sflag:s3], $0x2800  }
0x71: {  	[sflag:s3] =	ssyncset.done $0x0  }
0x72: {  	s25 =	sadd.s32 $0xFFFFF600, s18;
	s23 =	simm.s32 @p1 $0x4;
	[sflag:s3] =	ssyncadd.s32 $0xFFFFD800  }
0x73: {  	[hbm4b:s25+s2] =	stream.linear.scatter [tilespmem:s26], [sflag:$0x8], $0x2800, $0x38;
	[tilespmem:$0x1F680] =	vst v63  }
0x74: {  	_ =	swait.ge @p1 [sflag:s23], $0x2800  }
0x75: {  	[sflag:s23] =	ssyncset.done @p1 $0x0  }
0x76: {  	[sflag:s23] =	ssyncadd.s32 @p1 $0xFFFFD800;
	s23 =	simm.s32 @p1 $0x1A680  }
0x77: {  	[hbm4b:s11+s24] =	stream.linear.scatter @p1 [tilespmem:s23], [sflag:$0x9], $0x2800, $0x38;
	[tilespmem:$0x1F680] =	vst v63  }
0x78: {  	s23 =	sadd.s32 @!p1 s4, s15;
	s24 =	simm.s32 @!p1 $0x12D00  }
0x79: {  	[tilespmem:s24], [sflag:$0xB] =	stream.linear.gather @!p1 [hbm4b:s23+s29], $0x50, $0x38;
	[tilespmem:$0x1F680] =	vst v63  }
0x7a: {  	_ =	swait.ge @!p1 [sflag:s19], $0x50  }
0x7b: {  	[sflag:s19] =	ssyncset.done @!p1 $0x0  }
0x7c: {  	s23 =	simm.s32 @!p1 $0x4;
	[sflag:s19] =	ssyncadd.s32 @!p1 $0xFFFFFFB0  }
0x7d: {  	_ =	swait.ge @!p1 [sflag:s23], $0x2800  }
0x7e: {  	[sflag:s23] =	ssyncset.done @!p1 $0x0  }
0x7f: {  	s24 =	simm.s32 @!p1 $0x1A680;
	[sflag:s23] =	ssyncadd.s32 @!p1 $0xFFFFD800;
	s23 =	sadd.s32 @!p1 $0xFFFFFB00, s18  }
0x80: {  	[hbm4b:s23+s29] =	stream.linear.scatter @!p1 [tilespmem:s24], [sflag:$0x9], $0x2800, $0x38;
	[tilespmem:$0x1F680] =	vst v63  }
0x81: {  	s23 =	sadd.s32 @!p1 s4, s14;
	s24 =	simm.s32 @!p1 $0x12D80  }
0x82: {  	[tilespmem:s24], [sflag:$0xB] =	stream.linear.gather @!p1 [hbm4b:s23+s29], $0x50, $0x38;
	[tilespmem:$0x1F680] =	vst v63  }
0x83: {  	_ =	swait.ge @!p1 [sflag:s19], $0x50  }
0x84: {  	[sflag:s19] =	ssyncset.done @!p1 $0x0  }
.Ltmp2:
0x85: {  	[sflag:s19] =	ssyncadd.s32 @!p1 $0xFFFFFFB0;
	(pc) =	sbr.rel @p1 .LBB2_4-.Ltmp2, $4  }
0x86: {  	_ =	swait.ge [sflag:s5], $0x2800  }
0x87: {  	[sflag:s5] =	ssyncset.done $0x0  }
0x88: {  	[sflag:s5] =	ssyncadd.s32 $0xFFFFD800  }
0x89: {  	[hbm4b:s18+s2] =	stream.linear.scatter [tilespmem:s31], [sflag:$0xA], $0x2800, $0x38;
	[tilespmem:$0x1F680] =	vst v63  }
0x8a: {  	s19 =	sadd.s32 s4, s12  }
0x8b: {  	[tilespmem:s30], [sflag:$0xB] =	stream.linear.gather [hbm4b:s19+s2], $0x50, $0x38;
	[tilespmem:$0x1F680] =	vst v63  }
0x8c: {  	_ =	swait.ge [sflag:s20], $0x50  }
0x8d: {  	[sflag:s20] =	ssyncset.done $0x0  }
0x8e: {  	[sflag:s20] =	ssyncadd.s32 $0xFFFFFFB0  }
0x8f: {  	_ =	swait.ge [sflag:s6], $0x2800  }
0x90: {  	[sflag:s6] =	ssyncset.done $0x0  }
0x91: {  	s23 =	simm.s32 $0x12C00;
	[sflag:s6] =	ssyncadd.s32 $0xFFFFD800  }
0x92: {  	[tilespmem:s22], [sflag:$0x1] =	stream.indirect.gather [spmem:s1], $0x80, s23, s21, $0xb8;
	[tilespmem:$0x1F680] =	vst v63  }
0x93: {  	_ =	swait.ge [sflag:s7], $0x2800  }
0x94: {  	[sflag:s7] =	ssyncset.done $0x0  }
0x95: {  	s24 =	simm.s32 $0x15680;
	s23 =	simm.s32 $0x12C80;
	[sflag:s7] =	ssyncadd.s32 $0xFFFFD800  }
0x96: {  	[tilespmem:s24], [sflag:$0x2] =	stream.indirect.gather [spmem:s1], $0x80, s23, s21, $0xb8;
	[tilespmem:$0x1F680] =	vst v63  }
0x97: {  	_ =	swait.ge [sflag:s8], $0x2800  }
0x98: {  	[sflag:s8] =	ssyncset.done $0x0  }
0x99: {  	s25 =	simm.s32 $0x12D00;
	[sflag:s8] =	ssyncadd.s32 $0xFFFFD800  }
0x9a: {  	[tilespmem:s26], [sflag:$0x3] =	stream.indirect.gather [spmem:s1], $0x80, s25, s21, $0xb8;
	[tilespmem:$0x1F680] =	vst v63  }
0x9b: {  	_ =	swait.ge [sflag:s9], $0x2800  }
0x9c: {  	[sflag:s9] =	ssyncset.done $0x0  }
0x9d: {  	s29 =	simm.s32 $0x1A680;
	[sflag:s9] =	ssyncadd.s32 $0xFFFFD800  }
0x9e: {  	[tilespmem:s29], [sflag:$0x4] =	stream.indirect.gather [spmem:s1], $0x80, s28, s21, $0xb8;
	[tilespmem:$0x1F680] =	vst v63  }
.Ltmp3:
0x9f: {  	_ = 	snop;
	(pc) =	sbr.rel .LBB2_2-.Ltmp3, $4  }
0xa0: {  	_ =	swait.ge [sflag:s13], $0x2800  }
0xa1: {  	[sflag:s13] =	ssyncset.done $0x0  }
0xa2: {  	s4 =	sadd.s32 $0x32, s4;
	s18 =	sadd.s32 $0x1900, s18;
	[sflag:s13] =	ssyncadd.s32 $0xFFFFD800  }
0xa3: {  	[tilespmem:s31], [sflag:$0x5] =	stream.indirect.gather [spmem:s1], $0x80, s30, s21, $0xb8;
	[tilespmem:$0x1F680] =	vst v63  }
.LBB2_5:
0xa4: {  	_ =	sfence.sel $0x180000  }
0xa5: {  	[bflag:$0x0] =	sbarrier.arrive $0xFFFF  }
0xa6: {  	_ =	strace $0x90000047  }
0xa7: {  	[bflag:$0x2] =	sbarrier.arrive $0xFFFF  }
0xa8: {  	s0 =	rddreg [dreg:$0x3]  }
0xa9: {  	s0 =	sadd.s32 @!p0 $0x100000, s0  }
0xaa: {  	[sflag:s0] =	ssyncadd.tile.s32 @!p0 $0x1;
	_ =	shalt  }
.Lfunc_end2:
_tile_overlayer_lowered:
.L_overlay_start_2:
0xab: {  	(tag) =	ssettag $0x2  }
0xac: {  	s0 =	rddreg [dreg:$0x0];
	s2 =	stileid.u32  }
0xad: {  	s1 =	rddreg [dreg:$0x1];
	p0 =	sne.s32 s2, $0x0  }
0xae: {  	s3 =	rddreg [dreg:$0x2];
	[bflag:$0x3] =	sbarrier.arrive $0xFFFF;
	s2 =	simm.s32 @!p0 $0x1C0B  }
0xaf: {  	[timem:s3], [sflag:s2] =	dma.local @!p0 [hbm:s0], s1  }
0xb0: {  	s0 =	simm.s32 @!p0 $0xB  }
0xb1: {  	_ =	swait.ge @!p0 [sflag:s0], s1  }
0xb2: {  	s1 =	ssub.s32 @!p0 $0x0, s1;
	[sflag:s0] =	ssyncset.done @!p0 $0x0  }
0xb3: {  	[sflag:s0] =	ssyncadd.s32 @!p0 s1  }
0xb4: {  	[bflag:$0x3] =	sbarrier.arrive $0xFFFF  }
0xb5: {  	_ =	shalt  }

</sc_bundles>
